<compile_context>
chip_gen: v7x
topology: tpu7x:2x2x1
jax: 0.10.2.dev20260603
libtpu: 0.0.44.dev20260713+nightly
codegen_flags: <defaults>
</compile_context>

<pallas_src>
import functools

import jax
import jax.numpy as jnp
from jax import lax
from jax.experimental import pallas as pl
from jax.experimental.pallas import tpu as pltpu
from jax.experimental.pallas import tpu_sc as plsc

N, D, G, C = 10000, 128, 16, 7
NW = 32
CHUNK = 320
TAIL = N - 31 * CHUNK
GRP = 64
NG = CHUNK // GRP
TG0, TG1 = 64, TAIL - 64

_MESH = plsc.VectorSubcoreMesh(core_axis_name="c", subcore_axis_name="s")


@functools.partial(
    pl.kernel,
    mesh=_MESH,
    out_type=jax.ShapeDtypeStruct((2, G, D), jnp.float32),
    scratch_types=(
        [pltpu.VMEM((CHUNK, D), jnp.float32)]
        + [pltpu.VMEM((GRP,), jnp.int32) for _ in range(NG)]
        + [pltpu.VMEM((TG1,), jnp.int32)]
        + [pltpu.VMEM((G, D), jnp.float32)]
        + [pltpu.VMEM_SHARED((G, D), jnp.float32)]
        + [pltpu.SemaphoreType.DMA for _ in range(NG)]
        + [pltpu.SemaphoreType.DMA,
           pltpu.SemaphoreType.DMA]
    ),
)
def _sc_segment_sums(x_hbm, ids_hbm, sums_out,
                     x_v, i0, i1, i2, i3, i4, it_v, zs_v, acc_sh,
                     s0, s1, s2, s3, s4, si, ss):
    idx_bufs = [i0, i1, i2, i3, i4]
    x_sems = [s0, s1, s2, s3, s4]
    cid = lax.axis_index("c")
    sid = lax.axis_index("s")
    wid = sid * 2 + cid
    base = wid * CHUNK
    is_tail = wid == NW - 1

    @pl.when(~is_tail)
    def _stage():
        for g in range(NG):
            pltpu.async_copy(ids_hbm.at[pl.ds(base + GRP * g, GRP)],
                             idx_bufs[g], si)
        for g in range(NG):
            pltpu.async_copy(x_hbm.at[pl.ds(base + GRP * g, GRP)],
                             x_v.at[pl.ds(GRP * g, GRP)], x_sems[g])

    @pl.when(is_tail)
    def _stage_tail():
        pltpu.async_copy(ids_hbm.at[pl.ds(31 * CHUNK, TG0)], i0, si)
        pltpu.async_copy(ids_hbm.at[pl.ds(31 * CHUNK + TG0, TG1)], it_v, si)
        pltpu.async_copy(x_hbm.at[pl.ds(31 * CHUNK, TG0)],
                         x_v.at[pl.ds(0, TG0)], s0)
        pltpu.async_copy(x_hbm.at[pl.ds(31 * CHUNK + TG0, TG1)],
                         x_v.at[pl.ds(TG0, TG1)], s1)

    @pl.when(sid == 0)
    def _init():
        zvec = jnp.zeros((16,), jnp.float32)
        for r in range(G):
            for j in range(D // 16):
                zs_v[r, pl.ds(j * 16, 16)] = zvec
        pltpu.sync_copy(zs_v, acc_sh)

    plsc.subcore_barrier()

    @pl.when(~is_tail)
    def _main():
        for g in range(NG):
            pltpu.make_async_copy(ids_hbm.at[pl.ds(base + GRP * g, GRP)],
                                  idx_bufs[g], si).wait()
        ds = []
        for g in range(NG):
            pltpu.make_async_copy(x_hbm.at[pl.ds(base + GRP * g, GRP)],
                                  x_v.at[pl.ds(GRP * g, GRP)],
                                  x_sems[g]).wait()
            ds.append(pltpu.async_copy(x_v.at[pl.ds(GRP * g, GRP)],
                                       acc_sh.at[idx_bufs[g]], ss,
                                       add=True))
        for d in ds:
            d.wait()

    @pl.when(is_tail)
    def _main_tail():
        pltpu.make_async_copy(ids_hbm.at[pl.ds(31 * CHUNK, TG0)],
                              i0, si).wait()
        pltpu.make_async_copy(ids_hbm.at[pl.ds(31 * CHUNK + TG0, TG1)],
                              it_v, si).wait()
        pltpu.make_async_copy(x_hbm.at[pl.ds(31 * CHUNK, TG0)],
                              x_v.at[pl.ds(0, TG0)], s0).wait()
        d0 = pltpu.async_copy(x_v.at[pl.ds(0, TG0)], acc_sh.at[i0], ss,
                              add=True)
        pltpu.make_async_copy(x_hbm.at[pl.ds(31 * CHUNK + TG0, TG1)],
                              x_v.at[pl.ds(TG0, TG1)], s1).wait()
        d1 = pltpu.async_copy(x_v.at[pl.ds(TG0, TG1)], acc_sh.at[it_v], ss,
                              add=True)
        d0.wait()
        d1.wait()

    plsc.subcore_barrier()

    @pl.when(sid == 0)
    def _flush():
        pltpu.sync_copy(acc_sh, zs_v)
        pltpu.sync_copy(zs_v, sums_out.at[cid])


def _tc_counts(ids_ref, recip_ref):
    cnt = jnp.zeros((G, 1), jnp.float32)
    gids = jax.lax.broadcasted_iota(jnp.int32, (G, N // 10), 0)
    for b in range(10):
        ids = ids_ref[b]
        cnt = cnt + jnp.sum((gids == ids).astype(jnp.float32),
                            axis=1, keepdims=True)
    recip = 1.0 / jnp.maximum(cnt, 1.0)
    recip_ref[...] = jnp.broadcast_to(recip, (G, D))


def _tc_finish(sums_ref, recip_ref, WcT_ref, bcT_ref, outT_ref):
    pooled = (sums_ref[0] + sums_ref[1]) * recip_ref[...]
    outT_ref[...] = jax.lax.dot_general(
        WcT_ref[...], pooled, (((1,), (1,)), ((), ())),
        preferred_element_type=jnp.float32) + bcT_ref[...]


def kernel(x, edge_index, edge_attr, batch_size, W1, b1, W2, b2, Wc, bc):
    sums = _sc_segment_sums(x, batch_size)
    ids3 = batch_size.reshape(10, 1, N // 10)
    recip = pl.pallas_call(
        _tc_counts,
        out_shape=jax.ShapeDtypeStruct((G, D), jnp.float32),
    )(ids3)
    outT = pl.pallas_call(
        _tc_finish,
        out_shape=jax.ShapeDtypeStruct((C, G), jnp.float32),
    )(sums, recip, Wc.T, bc.reshape(C, 1))
    return outT.T

# --- scband reference (transcript-rebuilt; emitter-appended) ---
"""Pipeline reference for scband-mo-gnn-26036091748364 (READ-ONLY COPY).

The authoritative reference and input builder live on the scoring server;
editing this copy changes nothing except your own understanding.
"""

import jax, jax.numpy as jnp
import numpy as np

N, E, D, DE, G = 10000, 320000, 128, 7, 16

def setup_inputs(seed: int = 0) -> dict:
    key = jax.random.key(seed)
    ks = jax.random.split(key, 10)
    x = jax.random.normal(ks[0], (N, D), dtype=jnp.float32)
    edge_index = jax.random.randint(ks[1], (2, E), 0, N, dtype=jnp.int32)
    edge_attr = jax.random.normal(ks[2], (E, DE), dtype=jnp.float32)
    batch_size = jnp.sort(jax.random.randint(ks[3], (N,), 0, G, dtype=jnp.int32))
    # MoConv1: Linear(D+7 -> D); MoConv2: Linear(D -> D); classifier: Linear(D -> 7)
    W1 = jax.random.normal(ks[4], (D + DE, D), dtype=jnp.float32) * (1.0 / np.sqrt(D + DE))
    b1 = jnp.zeros((D,), dtype=jnp.float32)
    W2 = jax.random.normal(ks[5], (D, D), dtype=jnp.float32) * (1.0 / np.sqrt(D))
    b2 = jnp.zeros((D,), dtype=jnp.float32)
    Wc = jax.random.normal(ks[6], (D, 7), dtype=jnp.float32) * (1.0 / np.sqrt(D))
    bc = jnp.zeros((7,), dtype=jnp.float32)
    return {"x": x, "edge_index": edge_index, "edge_attr": edge_attr,
            "batch_size": batch_size, "W1": W1, "b1": b1, "W2": W2, "b2": b2,
            "Wc": Wc, "bc": bc}

def _segment_mean(vals, ids, num_segments):
    s = jax.ops.segment_sum(vals, ids, num_segments=num_segments)
    c = jax.ops.segment_sum(jnp.ones((vals.shape[0], 1), vals.dtype), ids, num_segments=num_segments)
    return s / jnp.maximum(c, 1.0)

def reference(x, edge_index, edge_attr, batch_size, W1, b1, W2, b2, Wc, bc):
    src = edge_index[0]
    dst = edge_index[1]
    # conv1: message = Linear([x_src || edge_attr]), mean-aggregate at dst
    m1 = jnp.concatenate([x[src], edge_attr], axis=1) @ W1 + b1
    h = jax.nn.relu(_segment_mean(m1, dst, N))
    # conv2 (note: original code re-uses x, discarding conv1 output)
    m2 = x[src] @ W2 + b2
    h = jax.nn.relu(_segment_mean(m2, dst, N))
    # global mean pool over batch assignment, then classifier (dropout is identity in eval)
    pooled = _segment_mean(x, batch_size, G)
    out = pooled @ Wc + bc
    return out

if __name__ == "__main__":
    import jax
    _d = setup_inputs()
    print(jax.jit(kernel)(*tuple(_d.values())))

</pallas_src>

<mosaic_0001>
#map = affine_map<(d0, d1) -> (0, 0)>
#map1 = affine_map<(d0, d1) -> (0)>
#map2 = affine_map<(d0, d1) -> (0, 0, 0)>
module attributes {stable_mosaic.version = 14 : i64} {
  func.func @_sc_segment_sums(%arg0: i32, %arg1: i32, %arg2: memref<10000x128xf32, #tpu.memory_space<hbm>>, %arg3: memref<10000xi32, #tpu.memory_space<hbm>>, %arg4: memref<2x16x128xf32, #tpu.memory_space<hbm>>, %arg5: memref<320x128xf32, #tpu.memory_space<vmem>>, %arg6: memref<64xi32, #tpu.memory_space<vmem>>, %arg7: memref<64xi32, #tpu.memory_space<vmem>>, %arg8: memref<64xi32, #tpu.memory_space<vmem>>, %arg9: memref<64xi32, #tpu.memory_space<vmem>>, %arg10: memref<64xi32, #tpu.memory_space<vmem>>, %arg11: memref<16xi32, #tpu.memory_space<vmem>>, %arg12: memref<16x128xf32, #tpu.memory_space<vmem>>, %arg13: memref<16x128xf32, #tpu.memory_space<vmem_shared>>, %arg14: memref<!tpu.dma_semaphore, #tpu.memory_space<semaphore_mem>>, %arg15: memref<!tpu.dma_semaphore, #tpu.memory_space<semaphore_mem>>, %arg16: memref<!tpu.dma_semaphore, #tpu.memory_space<semaphore_mem>>, %arg17: memref<!tpu.dma_semaphore, #tpu.memory_space<semaphore_mem>>, %arg18: memref<!tpu.dma_semaphore, #tpu.memory_space<semaphore_mem>>, %arg19: memref<!tpu.dma_semaphore, #tpu.memory_space<semaphore_mem>>, %arg20: memref<!tpu.dma_semaphore, #tpu.memory_space<semaphore_mem>>) attributes {dimension_semantics = [#tpu.dimension_semantics<core_parallel>, #tpu.dimension_semantics<subcore_parallel>], iteration_bounds = array<i64: 2, 16>, scalar_prefetch = 0 : i64, scratch_operands = 16 : i64, tpu.core_type = #tpu.core_type<sc_vector_subcore>, window_params = [{transform_indices = #map}, {transform_indices = #map1}, {transform_indices = #map2}]} {
    %mul3A = arith.constant 2 : i32
    %mul3A_0 = arith.muli %arg1, %mul3A : i32
    %add3A = arith.addi %mul3A_0, %arg0 : i32
    %mul3A_1 = arith.constant 320 : i32
    %mul3A_2 = arith.muli %add3A, %mul3A_1 : i32
    %eq3A = arith.constant 31 : i32
    %eq3A_3 = arith.cmpi eq, %add3A, %eq3A : i32
    %not3A = arith.constant true
    %not3A_4 = arith.xori %eq3A_3, %not3A : i1
    %convert_element_type3A = arith.extui %not3A_4 : i1 to i32
    %cond3A = arith.constant 0 : i32
    %cond3A_5 = arith.cmpi ne, %convert_element_type3A, %cond3A : i32
    scf.if %cond3A_5 {
      %add3A_28 = arith.constant 0 : i32
      %add3A_29 = arith.addi %mul3A_2, %add3A_28 : i32
      %dma_start3A = tpu.memref_slice %arg3[%add3A_29] : memref<10000xi32, #tpu.memory_space<hbm>> -> memref<64xi32, #tpu.memory_space<hbm>>
      %dma_start3A_30 = tpu.memref_slice %arg3[%add3A_29] : memref<10000xi32, #tpu.memory_space<hbm>> -> memref<64xi32, #tpu.memory_space<hbm>>
      tpu.enqueue_dma source(%dma_start3A_30 : memref<64xi32, #tpu.memory_space<hbm>>) target(%arg6 : memref<64xi32, #tpu.memory_space<vmem>>) target_semaphore(%arg19 : memref<!tpu.dma_semaphore, #tpu.memory_space<semaphore_mem>>)
      %add3A_31 = arith.constant 64 : i32
      %add3A_32 = arith.addi %mul3A_2, %add3A_31 : i32
      %dma_start3A_33 = tpu.memref_slice %arg3[%add3A_32] : memref<10000xi32, #tpu.memory_space<hbm>> -> memref<64xi32, #tpu.memory_space<hbm>>
      %dma_start3A_34 = tpu.memref_slice %arg3[%add3A_32] : memref<10000xi32, #tpu.memory_space<hbm>> -> memref<64xi32, #tpu.memory_space<hbm>>
      tpu.enqueue_dma source(%dma_start3A_34 : memref<64xi32, #tpu.memory_space<hbm>>) target(%arg7 : memref<64xi32, #tpu.memory_space<vmem>>) target_semaphore(%arg19 : memref<!tpu.dma_semaphore, #tpu.memory_space<semaphore_mem>>)
      %add3A_35 = arith.constant 128 : i32
      %add3A_36 = arith.addi %mul3A_2, %add3A_35 : i32
      %dma_start3A_37 = tpu.memref_slice %arg3[%add3A_36] : memref<10000xi32, #tpu.memory_space<hbm>> -> memref<64xi32, #tpu.memory_space<hbm>>
      %dma_start3A_38 = tpu.memref_slice %arg3[%add3A_36] : memref<10000xi32, #tpu.memory_space<hbm>> -> memref<64xi32, #tpu.memory_space<hbm>>
      tpu.enqueue_dma source(%dma_start3A_38 : memref<64xi32, #tpu.memory_space<hbm>>) target(%arg8 : memref<64xi32, #tpu.memory_space<vmem>>) target_semaphore(%arg19 : memref<!tpu.dma_semaphore, #tpu.memory_space<semaphore_mem>>)
      %add3A_39 = arith.constant 192 : i32
      %add3A_40 = arith.addi %mul3A_2, %add3A_39 : i32
      %dma_start3A_41 = tpu.memref_slice %arg3[%add3A_40] : memref<10000xi32, #tpu.memory_space<hbm>> -> memref<64xi32, #tpu.memory_space<hbm>>
      %dma_start3A_42 = tpu.memref_slice %arg3[%add3A_40] : memref<10000xi32, #tpu.memory_space<hbm>> -> memref<64xi32, #tpu.memory_space<hbm>>
      tpu.enqueue_dma source(%dma_start3A_42 : memref<64xi32, #tpu.memory_space<hbm>>) target(%arg9 : memref<64xi32, #tpu.memory_space<vmem>>) target_semaphore(%arg19 : memref<!tpu.dma_semaphore, #tpu.memory_space<semaphore_mem>>)
      %add3A_43 = arith.constant 256 : i32
      %add3A_44 = arith.addi %mul3A_2, %add3A_43 : i32
      %dma_start3A_45 = tpu.memref_slice %arg3[%add3A_44] : memref<10000xi32, #tpu.memory_space<hbm>> -> memref<64xi32, #tpu.memory_space<hbm>>
      %dma_start3A_46 = tpu.memref_slice %arg3[%add3A_44] : memref<10000xi32, #tpu.memory_space<hbm>> -> memref<64xi32, #tpu.memory_space<hbm>>
      tpu.enqueue_dma source(%dma_start3A_46 : memref<64xi32, #tpu.memory_space<hbm>>) target(%arg10 : memref<64xi32, #tpu.memory_space<vmem>>) target_semaphore(%arg19 : memref<!tpu.dma_semaphore, #tpu.memory_space<semaphore_mem>>)
      %add3A_47 = arith.constant 0 : i32
      %add3A_48 = arith.addi %mul3A_2, %add3A_47 : i32
      %dma_start3A_49 = arith.constant 0 : i32
      %dma_start3A_50 = arith.constant 0 : i32
      %dma_start3A_51 = tpu.memref_slice %arg5[%dma_start3A_49, %dma_start3A_50] : memref<320x128xf32, #tpu.memory_space<vmem>> -> memref<64x128xf32, #tpu.memory_space<vmem>>
      %dma_start3A_52 = arith.constant 0 : i32
      %dma_start3A_53 = tpu.memref_slice %arg2[%add3A_48, %dma_start3A_52] : memref<10000x128xf32, #tpu.memory_space<hbm>> -> memref<64x128xf32, #tpu.memory_space<hbm>>
      %dma_start3A_54 = arith.constant 0 : i32
      %dma_start3A_55 = arith.constant 0 : i32
      %dma_start3A_56 = tpu.memref_slice %arg5[%dma_start3A_54, %dma_start3A_55] : memref<320x128xf32, #tpu.memory_space<vmem>> -> memref<64x128xf32, #tpu.memory_space<vmem>>
      %dma_start3A_57 = arith.constant 0 : i32
      %dma_start3A_58 = tpu.memref_slice %arg2[%add3A_48, %dma_start3A_57] : memref<10000x128xf32, #tpu.memory_space<hbm>> -> memref<64x128xf32, #tpu.memory_space<hbm>>
      tpu.enqueue_dma source(%dma_start3A_58 : memref<64x128xf32, #tpu.memory_space<hbm>>) target(%dma_start3A_56 : memref<64x128xf32, #tpu.memory_space<vmem>>) target_semaphore(%arg14 : memref<!tpu.dma_semaphore, #tpu.memory_space<semaphore_mem>>)
      %add3A_59 = arith.constant 64 : i32
      %add3A_60 = arith.addi %mul3A_2, %add3A_59 : i32
      %dma_start3A_61 = arith.constant 64 : i32
      %dma_start3A_62 = arith.constant 0 : i32
      %dma_start3A_63 = tpu.memref_slice %arg5[%dma_start3A_61, %dma_start3A_62] : memref<320x128xf32, #tpu.memory_space<vmem>> -> memref<64x128xf32, #tpu.memory_space<vmem>>
      %dma_start3A_64 = arith.constant 0 : i32
      %dma_start3A_65 = tpu.memref_slice %arg2[%add3A_60, %dma_start3A_64] : memref<10000x128xf32, #tpu.memory_space<hbm>> -> memref<64x128xf32, #tpu.memory_space<hbm>>
      %dma_start3A_66 = arith.constant 64 : i32
      %dma_start3A_67 = arith.constant 0 : i32
      %dma_start3A_68 = tpu.memref_slice %arg5[%dma_start3A_66, %dma_start3A_67] : memref<320x128xf32, #tpu.memory_space<vmem>> -> memref<64x128xf32, #tpu.memory_space<vmem>>
      %dma_start3A_69 = arith.constant 0 : i32
      %dma_start3A_70 = tpu.memref_slice %arg2[%add3A_60, %dma_start3A_69] : memref<10000x128xf32, #tpu.memory_space<hbm>> -> memref<64x128xf32, #tpu.memory_space<hbm>>
      tpu.enqueue_dma source(%dma_start3A_70 : memref<64x128xf32, #tpu.memory_space<hbm>>) target(%dma_start3A_68 : memref<64x128xf32, #tpu.memory_space<vmem>>) target_semaphore(%arg15 : memref<!tpu.dma_semaphore, #tpu.memory_space<semaphore_mem>>)
      %add3A_71 = arith.constant 128 : i32
      %add3A_72 = arith.addi %mul3A_2, %add3A_71 : i32
      %dma_start3A_73 = arith.constant 128 : i32
      %dma_start3A_74 = arith.constant 0 : i32
      %dma_start3A_75 = tpu.memref_slice %arg5[%dma_start3A_73, %dma_start3A_74] : memref<320x128xf32, #tpu.memory_space<vmem>> -> memref<64x128xf32, #tpu.memory_space<vmem>>
      %dma_start3A_76 = arith.constant 0 : i32
      %dma_start3A_77 = tpu.memref_slice %arg2[%add3A_72, %dma_start3A_76] : memref<10000x128xf32, #tpu.memory_space<hbm>> -> memref<64x128xf32, #tpu.memory_space<hbm>>
      %dma_start3A_78 = arith.constant 128 : i32
      %dma_start3A_79 = arith.constant 0 : i32
      %dma_start3A_80 = tpu.memref_slice %arg5[%dma_start3A_78, %dma_start3A_79] : memref<320x128xf32, #tpu.memory_space<vmem>> -> memref<64x128xf32, #tpu.memory_space<vmem>>
      %dma_start3A_81 = arith.constant 0 : i32
      %dma_start3A_82 = tpu.memref_slice %arg2[%add3A_72, %dma_start3A_81] : memref<10000x128xf32, #tpu.memory_space<hbm>> -> memref<64x128xf32, #tpu.memory_space<hbm>>
      tpu.enqueue_dma source(%dma_start3A_82 : memref<64x128xf32, #tpu.memory_space<hbm>>) target(%dma_start3A_80 : memref<64x128xf32, #tpu.memory_space<vmem>>) target_semaphore(%arg16 : memref<!tpu.dma_semaphore, #tpu.memory_space<semaphore_mem>>)
      %add3A_83 = arith.constant 192 : i32
      %add3A_84 = arith.addi %mul3A_2, %add3A_83 : i32
      %dma_start3A_85 = arith.constant 192 : i32
      %dma_start3A_86 = arith.constant 0 : i32
      %dma_start3A_87 = tpu.memref_slice %arg5[%dma_start3A_85, %dma_start3A_86] : memref<320x128xf32, #tpu.memory_space<vmem>> -> memref<64x128xf32, #tpu.memory_space<vmem>>
      %dma_start3A_88 = arith.constant 0 : i32
      %dma_start3A_89 = tpu.memref_slice %arg2[%add3A_84, %dma_start3A_88] : memref<10000x128xf32, #tpu.memory_space<hbm>> -> memref<64x128xf32, #tpu.memory_space<hbm>>
      %dma_start3A_90 = arith.constant 192 : i32
      %dma_start3A_91 = arith.constant 0 : i32
      %dma_start3A_92 = tpu.memref_slice %arg5[%dma_start3A_90, %dma_start3A_91] : memref<320x128xf32, #tpu.memory_space<vmem>> -> memref<64x128xf32, #tpu.memory_space<vmem>>
      %dma_start3A_93 = arith.constant 0 : i32
      %dma_start3A_94 = tpu.memref_slice %arg2[%add3A_84, %dma_start3A_93] : memref<10000x128xf32, #tpu.memory_space<hbm>> -> memref<64x128xf32, #tpu.memory_space<hbm>>
      tpu.enqueue_dma source(%dma_start3A_94 : memref<64x128xf32, #tpu.memory_space<hbm>>) target(%dma_start3A_92 : memref<64x128xf32, #tpu.memory_space<vmem>>) target_semaphore(%arg17 : memref<!tpu.dma_semaphore, #tpu.memory_space<semaphore_mem>>)
      %add3A_95 = arith.constant 256 : i32
      %add3A_96 = arith.addi %mul3A_2, %add3A_95 : i32
      %dma_start3A_97 = arith.constant 256 : i32
      %dma_start3A_98 = arith.constant 0 : i32
      %dma_start3A_99 = tpu.memref_slice %arg5[%dma_start3A_97, %dma_start3A_98] : memref<320x128xf32, #tpu.memory_space<vmem>> -> memref<64x128xf32, #tpu.memory_space<vmem>>
      %dma_start3A_100 = arith.constant 0 : i32
      %dma_start3A_101 = tpu.memref_slice %arg2[%add3A_96, %dma_start3A_100] : memref<10000x128xf32, #tpu.memory_space<hbm>> -> memref<64x128xf32, #tpu.memory_space<hbm>>
      %dma_start3A_102 = arith.constant 256 : i32
      %dma_start3A_103 = arith.constant 0 : i32
      %dma_start3A_104 = tpu.memref_slice %arg5[%dma_start3A_102, %dma_start3A_103] : memref<320x128xf32, #tpu.memory_space<vmem>> -> memref<64x128xf32, #tpu.memory_space<vmem>>
      %dma_start3A_105 = arith.constant 0 : i32
      %dma_start3A_106 = tpu.memref_slice %arg2[%add3A_96, %dma_start3A_105] : memref<10000x128xf32, #tpu.memory_space<hbm>> -> memref<64x128xf32, #tpu.memory_space<hbm>>
      tpu.enqueue_dma source(%dma_start3A_106 : memref<64x128xf32, #tpu.memory_space<hbm>>) target(%dma_start3A_104 : memref<64x128xf32, #tpu.memory_space<vmem>>) target_semaphore(%arg18 : memref<!tpu.dma_semaphore, #tpu.memory_space<semaphore_mem>>)
    } else {
    }
    %convert_element_type3A_6 = arith.extui %eq3A_3 : i1 to i32
    %cond3A_7 = arith.constant 0 : i32
    %cond3A_8 = arith.cmpi ne, %convert_element_type3A_6, %cond3A_7 : i32
    scf.if %cond3A_8 {
      %dma_start3A = arith.constant 9920 : i32
      %dma_start3A_28 = tpu.memref_slice %arg3[%dma_start3A] : memref<10000xi32, #tpu.memory_space<hbm>> -> memref<64xi32, #tpu.memory_space<hbm>>
      %dma_start3A_29 = arith.constant 9920 : i32
      %dma_start3A_30 = tpu.memref_slice %arg3[%dma_start3A_29] : memref<10000xi32, #tpu.memory_space<hbm>> -> memref<64xi32, #tpu.memory_space<hbm>>
      tpu.enqueue_dma source(%dma_start3A_30 : memref<64xi32, #tpu.memory_space<hbm>>) target(%arg6 : memref<64xi32, #tpu.memory_space<vmem>>) target_semaphore(%arg19 : memref<!tpu.dma_semaphore, #tpu.memory_space<semaphore_mem>>)
      %dma_start3A_31 = arith.constant 9984 : i32
      %dma_start3A_32 = tpu.memref_slice %arg3[%dma_start3A_31] : memref<10000xi32, #tpu.memory_space<hbm>> -> memref<16xi32, #tpu.memory_space<hbm>>
      %dma_start3A_33 = arith.constant 9984 : i32
      %dma_start3A_34 = tpu.memref_slice %arg3[%dma_start3A_33] : memref<10000xi32, #tpu.memory_space<hbm>> -> memref<16xi32, #tpu.memory_space<hbm>>
      tpu.enqueue_dma source(%dma_start3A_34 : memref<16xi32, #tpu.memory_space<hbm>>) target(%arg11 : memref<16xi32, #tpu.memory_space<vmem>>) target_semaphore(%arg19 : memref<!tpu.dma_semaphore, #tpu.memory_space<semaphore_mem>>)
      %dma_start3A_35 = arith.constant 0 : i32
      %dma_start3A_36 = arith.constant 0 : i32
      %dma_start3A_37 = tpu.memref_slice %arg5[%dma_start3A_35, %dma_start3A_36] : memref<320x128xf32, #tpu.memory_space<vmem>> -> memref<64x128xf32, #tpu.memory_space<vmem>>
      %dma_start3A_38 = arith.constant 9920 : i32
      %dma_start3A_39 = arith.constant 0 : i32
      %dma_start3A_40 = tpu.memref_slice %arg2[%dma_start3A_38, %dma_start3A_39] : memref<10000x128xf32, #tpu.memory_space<hbm>> -> memref<64x128xf32, #tpu.memory_space<hbm>>
      %dma_start3A_41 = arith.constant 0 : i32
      %dma_start3A_42 = arith.constant 0 : i32
      %dma_start3A_43 = tpu.memref_slice %arg5[%dma_start3A_41, %dma_start3A_42] : memref<320x128xf32, #tpu.memory_space<vmem>> -> memref<64x128xf32, #tpu.memory_space<vmem>>
      %dma_start3A_44 = arith.constant 9920 : i32
      %dma_start3A_45 = arith.constant 0 : i32
      %dma_start3A_46 = tpu.memref_slice %arg2[%dma_start3A_44, %dma_start3A_45] : memref<10000x128xf32, #tpu.memory_space<hbm>> -> memref<64x128xf32, #tpu.memory_space<hbm>>
      tpu.enqueue_dma source(%dma_start3A_46 : memref<64x128xf32, #tpu.memory_space<hbm>>) target(%dma_start3A_43 : memref<64x128xf32, #tpu.memory_space<vmem>>) target_semaphore(%arg14 : memref<!tpu.dma_semaphore, #tpu.memory_space<semaphore_mem>>)
      %dma_start3A_47 = arith.constant 64 : i32
      %dma_start3A_48 = arith.constant 0 : i32
      %dma_start3A_49 = tpu.memref_slice %arg5[%dma_start3A_47, %dma_start3A_48] : memref<320x128xf32, #tpu.memory_space<vmem>> -> memref<16x128xf32, #tpu.memory_space<vmem>>
      %dma_start3A_50 = arith.constant 9984 : i32
      %dma_start3A_51 = arith.constant 0 : i32
      %dma_start3A_52 = tpu.memref_slice %arg2[%dma_start3A_50, %dma_start3A_51] : memref<10000x128xf32, #tpu.memory_space<hbm>> -> memref<16x128xf32, #tpu.memory_space<hbm>>
      %dma_start3A_53 = arith.constant 64 : i32
      %dma_start3A_54 = arith.constant 0 : i32
      %dma_start3A_55 = tpu.memref_slice %arg5[%dma_start3A_53, %dma_start3A_54] : memref<320x128xf32, #tpu.memory_space<vmem>> -> memref<16x128xf32, #tpu.memory_space<vmem>>
      %dma_start3A_56 = arith.constant 9984 : i32
      %dma_start3A_57 = arith.constant 0 : i32
      %dma_start3A_58 = tpu.memref_slice %arg2[%dma_start3A_56, %dma_start3A_57] : memref<10000x128xf32, #tpu.memory_space<hbm>> -> memref<16x128xf32, #tpu.memory_space<hbm>>
      tpu.enqueue_dma source(%dma_start3A_58 : memref<16x128xf32, #tpu.memory_space<hbm>>) target(%dma_start3A_55 : memref<16x128xf32, #tpu.memory_space<vmem>>) target_semaphore(%arg15 : memref<!tpu.dma_semaphore, #tpu.memory_space<semaphore_mem>>)
    } else {
    }
    %eq3A_9 = arith.constant 0 : i32
    %eq3A_10 = arith.cmpi eq, %arg1, %eq3A_9 : i32
    %convert_element_type3A_11 = arith.extui %eq3A_10 : i1 to i32
    %cond3A_12 = arith.constant 0 : i32
    %cond3A_13 = arith.cmpi ne, %convert_element_type3A_11, %cond3A_12 : i32
    scf.if %cond3A_13 {
      %broadcast_in_dim3A = arith.constant 0.000000e+00 : f32
      %broadcast_in_dim3A_28 = vector.broadcast %broadcast_in_dim3A : f32 to vector<16xf32>
      %swap3A = arith.constant 0 : i32
      %swap3A_29 = arith.index_cast %swap3A : i32 to index
      %swap3A_30 = arith.constant 0 : index
      %swap3A_31 = tpu.vector_load %arg12[%swap3A_29, %swap3A_30] {strides = array<i32>} : memref<16x128xf32, #tpu.memory_space<vmem>>, vector<1x16xf32>,
      %swap3A_32 = vector.shape_cast %swap3A_31 : vector<1x16xf32> to vector<16xf32>
      %swap3A_33 = vector.shape_cast %broadcast_in_dim3A_28 : vector<16xf32> to vector<1x16xf32>
      tpu.vector_store %arg12[%swap3A_29, %swap3A_30], %swap3A_33 {strides = array<i32>} : memref<16x128xf32, #tpu.memory_space<vmem>>, vector<1x16xf32>,
      %swap3A_34 = arith.constant 0 : i32
      %swap3A_35 = arith.index_cast %swap3A_34 : i32 to index
      %swap3A_36 = arith.constant 16 : index
      %swap3A_37 = tpu.vector_load %arg12[%swap3A_35, %swap3A_36] {strides = array<i32>} : memref<16x128xf32, #tpu.memory_space<vmem>>, vector<1x16xf32>,
      %swap3A_38 = vector.shape_cast %swap3A_37 : vector<1x16xf32> to vector<16xf32>
      %swap3A_39 = vector.shape_cast %broadcast_in_dim3A_28 : vector<16xf32> to vector<1x16xf32>
      tpu.vector_store %arg12[%swap3A_35, %swap3A_36], %swap3A_39 {strides = array<i32>} : memref<16x128xf32, #tpu.memory_space<vmem>>, vector<1x16xf32>,
      %swap3A_40 = arith.constant 0 : i32
      %swap3A_41 = arith.index_cast %swap3A_40 : i32 to index
      %swap3A_42 = arith.constant 32 : index
      %swap3A_43 = tpu.vector_load %arg12[%swap3A_41, %swap3A_42] {strides = array<i32>} : memref<16x128xf32, #tpu.memory_space<vmem>>, vector<1x16xf32>,
      %swap3A_44 = vector.shape_cast %swap3A_43 : vector<1x16xf32> to vector<16xf32>
      %swap3A_45 = vector.shape_cast %broadcast_in_dim3A_28 : vector<16xf32> to vector<1x16xf32>
      tpu.vector_store %arg12[%swap3A_41, %swap3A_42], %swap3A_45 {strides = array<i32>} : memref<16x128xf32, #tpu.memory_space<vmem>>, vector<1x16xf32>,
      %swap3A_46 = arith.constant 0 : i32
      %swap3A_47 = arith.index_cast %swap3A_46 : i32 to index
      %swap3A_48 = arith.constant 48 : index
      %swap3A_49 = tpu.vector_load %arg12[%swap3A_47, %swap3A_48] {strides = array<i32>} : memref<16x128xf32, #tpu.memory_space<vmem>>, vector<1x16xf32>,
      %swap3A_50 = vector.shape_cast %swap3A_49 : vector<1x16xf32> to vector<16xf32>
      %swap3A_51 = vector.shape_cast %broadcast_in_dim3A_28 : vector<16xf32> to vector<1x16xf32>
      tpu.vector_store %arg12[%swap3A_47, %swap3A_48], %swap3A_51 {strides = array<i32>} : memref<16x128xf32, #tpu.memory_space<vmem>>, vector<1x16xf32>,
      %swap3A_52 = arith.constant 0 : i32
      %swap3A_53 = arith.index_cast %swap3A_52 : i32 to index
      %swap3A_54 = arith.constant 64 : index
      %swap3A_55 = tpu.vector_load %arg12[%swap3A_53, %swap3A_54] {strides = array<i32>} : memref<16x128xf32, #tpu.memory_space<vmem>>, vector<1x16xf32>,
      %swap3A_56 = vector.shape_cast %swap3A_55 : vector<1x16xf32> to vector<16xf32>
      %swap3A_57 = vector.shape_cast %broadcast_in_dim3A_28 : vector<16xf32> to vector<1x16xf32>
      tpu.vector_store %arg12[%swap3A_53, %swap3A_54], %swap3A_57 {strides = array<i32>} : memref<16x128xf32, #tpu.memory_space<vmem>>, vector<1x16xf32>,
      %swap3A_58 = arith.constant 0 : i32
      %swap3A_59 = arith.index_cast %swap3A_58 : i32 to index
      %swap3A_60 = arith.constant 80 : index
      %swap3A_61 = tpu.vector_load %arg12[%swap3A_59, %swap3A_60] {strides = array<i32>} : memref<16x128xf32, #tpu.memory_space<vmem>>, vector<1x16xf32>,
      %swap3A_62 = vector.shape_cast %swap3A_61 : vector<1x16xf32> to vector<16xf32>
      %swap3A_63 = vector.shape_cast %broadcast_in_dim3A_28 : vector<16xf32> to vector<1x16xf32>
      tpu.vector_store %arg12[%swap3A_59, %swap3A_60], %swap3A_63 {strides = array<i32>} : memref<16x128xf32, #tpu.memory_space<vmem>>, vector<1x16xf32>,
      %swap3A_64 = arith.constant 0 : i32
      %swap3A_65 = arith.index_cast %swap3A_64 : i32 to index
      %swap3A_66 = arith.constant 96 : index
      %swap3A_67 = tpu.vector_load %arg12[%swap3A_65, %swap3A_66] {strides = array<i32>} : memref<16x128xf32, #tpu.memory_space<vmem>>, vector<1x16xf32>,
      %swap3A_68 = vector.shape_cast %swap3A_67 : vector<1x16xf32> to vector<16xf32>
      %swap3A_69 = vector.shape_cast %broadcast_in_dim3A_28 : vector<16xf32> to vector<1x16xf32>
      tpu.vector_store %arg12[%swap3A_65, %swap3A_66], %swap3A_69 {strides = array<i32>} : memref<16x128xf32, #tpu.memory_space<vmem>>, vector<1x16xf32>,
      %swap3A_70 = arith.constant 0 : i32
      %swap3A_71 = arith.index_cast %swap3A_70 : i32 to index
      %swap3A_72 = arith.constant 112 : index
      %swap3A_73 = tpu.vector_load %arg12[%swap3A_71, %swap3A_72] {strides = array<i32>} : memref<16x128xf32, #tpu.memory_space<vmem>>, vector<1x16xf32>,
      %swap3A_74 = vector.shape_cast %swap3A_73 : vector<1x16xf32> to vector<16xf32>
      %swap3A_75 = vector.shape_cast %broadcast_in_dim3A_28 : vector<16xf32> to vector<1x16xf32>
      tpu.vector_store %arg12[%swap3A_71, %swap3A_72], %swap3A_75 {strides = array<i32>} : memref<16x128xf32, #tpu.memory_space<vmem>>, vector<1x16xf32>,
      %swap3A_76 = arith.constant 1 : i32
      %swap3A_77 = arith.index_cast %swap3A_76 : i32 to index
      %swap3A_78 = arith.constant 0 : index
      %swap3A_79 = tpu.vector_load %arg12[%swap3A_77, %swap3A_78] {strides = array<i32>} : memref<16x128xf32, #tpu.memory_space<vmem>>, vector<1x16xf32>,
      %swap3A_80 = vector.shape_cast %swap3A_79 : vector<1x16xf32> to vector<16xf32>
      %swap3A_81 = vector.shape_cast %broadcast_in_dim3A_28 : vector<16xf32> to vector<1x16xf32>
      tpu.vector_store %arg12[%swap3A_77, %swap3A_78], %swap3A_81 {strides = array<i32>} : memref<16x128xf32, #tpu.memory_space<vmem>>, vector<1x16xf32>,
      %swap3A_82 = arith.constant 1 : i32
      %swap3A_83 = arith.index_cast %swap3A_82 : i32 to index
      %swap3A_84 = arith.constant 16 : index
      %swap3A_85 = tpu.vector_load %arg12[%swap3A_83, %swap3A_84] {strides = array<i32>} : memref<16x128xf32, #tpu.memory_space<vmem>>, vector<1x16xf32>,
      %swap3A_86 = vector.shape_cast %swap3A_85 : vector<1x16xf32> to vector<16xf32>
      %swap3A_87 = vector.shape_cast %broadcast_in_dim3A_28 : vector<16xf32> to vector<1x16xf32>
      tpu.vector_store %arg12[%swap3A_83, %swap3A_84], %swap3A_87 {strides = array<i32>} : memref<16x128xf32, #tpu.memory_space<vmem>>, vector<1x16xf32>,
      %swap3A_88 = arith.constant 1 : i32
      %swap3A_89 = arith.index_cast %swap3A_88 : i32 to index
      %swap3A_90 = arith.constant 32 : index
      %swap3A_91 = tpu.vector_load %arg12[%swap3A_89, %swap3A_90] {strides = array<i32>} : memref<16x128xf32, #tpu.memory_space<vmem>>, vector<1x16xf32>,
      %swap3A_92 = vector.shape_cast %swap3A_91 : vector<1x16xf32> to vector<16xf32>
      %swap3A_93 = vector.shape_cast %broadcast_in_dim3A_28 : vector<16xf32> to vector<1x16xf32>
      tpu.vector_store %arg12[%swap3A_89, %swap3A_90], %swap3A_93 {strides = array<i32>} : memref<16x128xf32, #tpu.memory_space<vmem>>, vector<1x16xf32>,
      %swap3A_94 = arith.constant 1 : i32
      %swap3A_95 = arith.index_cast %swap3A_94 : i32 to index
      %swap3A_96 = arith.constant 48 : index
      %swap3A_97 = tpu.vector_load %arg12[%swap3A_95, %swap3A_96] {strides = array<i32>} : memref<16x128xf32, #tpu.memory_space<vmem>>, vector<1x16xf32>,
      %swap3A_98 = vector.shape_cast %swap3A_97 : vector<1x16xf32> to vector<16xf32>
      %swap3A_99 = vector.shape_cast %broadcast_in_dim3A_28 : vector<16xf32> to vector<1x16xf32>
      tpu.vector_store %arg12[%swap3A_95, %swap3A_96], %swap3A_99 {strides = array<i32>} : memref<16x128xf32, #tpu.memory_space<vmem>>, vector<1x16xf32>,
      %swap3A_100 = arith.constant 1 : i32
      %swap3A_101 = arith.index_cast %swap3A_100 : i32 to index
      %swap3A_102 = arith.constant 64 : index
      %swap3A_103 = tpu.vector_load %arg12[%swap3A_101, %swap3A_102] {strides = array<i32>} : memref<16x128xf32, #tpu.memory_space<vmem>>, vector<1x16xf32>,
      %swap3A_104 = vector.shape_cast %swap3A_103 : vector<1x16xf32> to vector<16xf32>
      %swap3A_105 = vector.shape_cast %broadcast_in_dim3A_28 : vector<16xf32> to vector<1x16xf32>
      tpu.vector_store %arg12[%swap3A_101, %swap3A_102], %swap3A_105 {strides = array<i32>} : memref<16x128xf32, #tpu.memory_space<vmem>>, vector<1x16xf32>,
      %swap3A_106 = arith.constant 1 : i32
      %swap3A_107 = arith.index_cast %swap3A_106 : i32 to index
      %swap3A_108 = arith.constant 80 : index
      %swap3A_109 = tpu.vector_load %arg12[%swap3A_107, %swap3A_108] {strides = array<i32>} : memref<16x128xf32, #tpu.memory_space<vmem>>, vector<1x16xf32>,
      %swap3A_110 = vector.shape_cast %swap3A_109 : vector<1x16xf32> to vector<16xf32>
      %swap3A_111 = vector.shape_cast %broadcast_in_dim3A_28 : vector<16xf32> to vector<1x16xf32>
      tpu.vector_store %arg12[%swap3A_107, %swap3A_108], %swap3A_111 {strides = array<i32>} : memref<16x128xf32, #tpu.memory_space<vmem>>, vector<1x16xf32>,
      %swap3A_112 = arith.constant 1 : i32
      %swap3A_113 = arith.index_cast %swap3A_112 : i32 to index
      %swap3A_114 = arith.constant 96 : index
      %swap3A_115 = tpu.vector_load %arg12[%swap3A_113, %swap3A_114] {strides = array<i32>} : memref<16x128xf32, #tpu.memory_space<vmem>>, vector<1x16xf32>,
      %swap3A_116 = vector.shape_cast %swap3A_115 : vector<1x16xf32> to vector<16xf32>
      %swap3A_117 = vector.shape_cast %broadcast_in_dim3A_28 : vector<16xf32> to vector<1x16xf32>
      tpu.vector_store %arg12[%swap3A_113, %swap3A_114], %swap3A_117 {strides = array<i32>} : memref<16x128xf32, #tpu.memory_space<vmem>>, vector<1x16xf32>,
      %swap3A_118 = arith.constant 1 : i32
      %swap3A_119 = arith.index_cast %swap3A_118 : i32 to index
      %swap3A_120 = arith.constant 112 : index
      %swap3A_121 = tpu.vector_load %arg12[%swap3A_119, %swap3A_120] {strides = array<i32>} : memref<16x128xf32, #tpu.memory_space<vmem>>, vector<1x16xf32>,
      %swap3A_122 = vector.shape_cast %swap3A_121 : vector<1x16xf32> to vector<16xf32>
      %swap3A_123 = vector.shape_cast %broadcast_in_dim3A_28 : vector<16xf32> to vector<1x16xf32>
      tpu.vector_store %arg12[%swap3A_119, %swap3A_120], %swap3A_123 {strides = array<i32>} : memref<16x128xf32, #tpu.memory_space<vmem>>, vector<1x16xf32>,
      %swap3A_124 = arith.constant 2 : i32
      %swap3A_125 = arith.index_cast %swap3A_124 : i32 to index
      %swap3A_126 = arith.constant 0 : index
      %swap3A_127 = tpu.vector_load %arg12[%swap3A_125, %swap3A_126] {strides = array<i32>} : memref<16x128xf32, #tpu.memory_space<vmem>>, vector<1x16xf32>,
      %swap3A_128 = vector.shape_cast %swap3A_127 : vector<1x16xf32> to vector<16xf32>
      %swap3A_129 = vector.shape_cast %broadcast_in_dim3A_28 : vector<16xf32> to vector<1x16xf32>
      tpu.vector_store %arg12[%swap3A_125, %swap3A_126], %swap3A_129 {strides = array<i32>} : memref<16x128xf32, #tpu.memory_space<vmem>>, vector<1x16xf32>,
      %swap3A_130 = arith.constant 2 : i32
      %swap3A_131 = arith.index_cast %swap3A_130 : i32 to index
      %swap3A_132 = arith.constant 16 : index
      %swap3A_133 = tpu.vector_load %arg12[%swap3A_131, %swap3A_132] {strides = array<i32>} : memref<16x128xf32, #tpu.memory_space<vmem>>, vector<1x16xf32>,
      %swap3A_134 = vector.shape_cast %swap3A_133 : vector<1x16xf32> to vector<16xf32>
      %swap3A_135 = vector.shape_cast %broadcast_in_dim3A_28 : vector<16xf32> to vector<1x16xf32>
      tpu.vector_store %arg12[%swap3A_131, %swap3A_132], %swap3A_135 {strides = array<i32>} : memref<16x128xf32, #tpu.memory_space<vmem>>, vector<1x16xf32>,
      %swap3A_136 = arith.constant 2 : i32
      %swap3A_137 = arith.index_cast %swap3A_136 : i32 to index
      %swap3A_138 = arith.constant 32 : index
      %swap3A_139 = tpu.vector_load %arg12[%swap3A_137, %swap3A_138] {strides = array<i32>} : memref<16x128xf32, #tpu.memory_space<vmem>>, vector<1x16xf32>,
      %swap3A_140 = vector.shape_cast %swap3A_139 : vector<1x16xf32> to vector<16xf32>
      %swap3A_141 = vector.shape_cast %broadcast_in_dim3A_28 : vector<16xf32> to vector<1x16xf32>
      tpu.vector_store %arg12[%swap3A_137, %swap3A_138], %swap3A_141 {strides = array<i32>} : memref<16x128xf32, #tpu.memory_space<vmem>>, vector<1x16xf32>,
      %swap3A_142 = arith.constant 2 : i32
      %swap3A_143 = arith.index_cast %swap3A_142 : i32 to index
      %swap3A_144 = arith.constant 48 : index
      %swap3A_145 = tpu.vector_load %arg12[%swap3A_143, %swap3A_144] {strides = array<i32>} : memref<16x128xf32, #tpu.memory_space<vmem>>, vector<1x16xf32>,
      %swap3A_146 = vector.shape_cast %swap3A_145 : vector<1x16xf32> to vector<16xf32>
      %swap3A_147 = vector.shape_cast %broadcast_in_dim3A_28 : vector<16xf32> to vector<1x16xf32>
      tpu.vector_store %arg12[%swap3A_143, %swap3A_144], %swap3A_147 {strides = array<i32>} : memref<16x128xf32, #tpu.memory_space<vmem>>, vector<1x16xf32>,
      %swap3A_148 = arith.constant 2 : i32
      %swap3A_149 = arith.index_cast %swap3A_148 : i32 to index
      %swap3A_150 = arith.constant 64 : index
      %swap3A_151 = tpu.vector_load %arg12[%swap3A_149, %swap3A_150] {strides = array<i32>} : memref<16x128xf32, #tpu.memory_space<vmem>>, vector<1x16xf32>,
      %swap3A_152 = vector.shape_cast %swap3A_151 : vector<1x16xf32> to vector<16xf32>
      %swap3A_153 = vector.shape_cast %broadcast_in_dim3A_28 : vector<16xf32> to vector<1x16xf32>
      tpu.vector_store %arg12[%swap3A_149, %swap3A_150], %swap3A_153 {strides = array<i32>} : memref<16x128xf32, #tpu.memory_space<vmem>>, vector<1x16xf32>,
      %swap3A_154 = arith.constant 2 : i32
      %swap3A_155 = arith.index_cast %swap3A_154 : i32 to index
      %swap3A_156 = arith.constant 80 : index
      %swap3A_157 = tpu.vector_load %arg12[%swap3A_155, %swap3A_156] {strides = array<i32>} : memref<16x128xf32, #tpu.memory_space<vmem>>, vector<1x16xf32>,
      %swap3A_158 = vector.shape_cast %swap3A_157 : vector<1x16xf32> to vector<16xf32>
      %swap3A_159 = vector.shape_cast %broadcast_in_dim3A_28 : vector<16xf32> to vector<1x16xf32>
      tpu.vector_store %arg12[%swap3A_155, %swap3A_156], %swap3A_159 {strides = array<i32>} : memref<16x128xf32, #tpu.memory_space<vmem>>, vector<1x16xf32>,
      %swap3A_160 = arith.constant 2 : i32
      %swap3A_161 = arith.index_cast %swap3A_160 : i32 to index
      %swap3A_162 = arith.constant 96 : index
      %swap3A_163 = tpu.vector_load %arg12[%swap3A_161, %swap3A_162] {strides = array<i32>} : memref<16x128xf32, #tpu.memory_space<vmem>>, vector<1x16xf32>,
      %swap3A_164 = vector.shape_cast %swap3A_163 : vector<1x16xf32> to vector<16xf32>
      %swap3A_165 = vector.shape_cast %broadcast_in_dim3A_28 : vector<16xf32> to vector<1x16xf32>
      tpu.vector_store %arg12[%swap3A_161, %swap3A_162], %swap3A_165 {strides = array<i32>} : memref<16x128xf32, #tpu.memory_space<vmem>>, vector<1x16xf32>,
      %swap3A_166 = arith.constant 2 : i32
      %swap3A_167 = arith.index_cast %swap3A_166 : i32 to index
      %swap3A_168 = arith.constant 112 : index
      %swap3A_169 = tpu.vector_load %arg12[%swap3A_167, %swap3A_168] {strides = array<i32>} : memref<16x128xf32, #tpu.memory_space<vmem>>, vector<1x16xf32>,
      %swap3A_170 = vector.shape_cast %swap3A_169 : vector<1x16xf32> to vector<16xf32>
      %swap3A_171 = vector.shape_cast %broadcast_in_dim3A_28 : vector<16xf32> to vector<1x16xf32>
      tpu.vector_store %arg12[%swap3A_167, %swap3A_168], %swap3A_171 {strides = array<i32>} : memref<16x128xf32, #tpu.memory_space<vmem>>, vector<1x16xf32>,
      %swap3A_172 = arith.constant 3 : i32
      %swap3A_173 = arith.index_cast %swap3A_172 : i32 to index
      %swap3A_174 = arith.constant 0 : index
      %swap3A_175 = tpu.vector_load %arg12[%swap3A_173, %swap3A_174] {strides = array<i32>} : memref<16x128xf32, #tpu.memory_space<vmem>>, vector<1x16xf32>,
      %swap3A_176 = vector.shape_cast %swap3A_175 : vector<1x16xf32> to vector<16xf32>
      %swap3A_177 = vector.shape_cast %broadcast_in_dim3A_28 : vector<16xf32> to vector<1x16xf32>
      tpu.vector_store %arg12[%swap3A_173, %swap3A_174], %swap3A_177 {strides = array<i32>} : memref<16x128xf32, #tpu.memory_space<vmem>>, vector<1x16xf32>,
      %swap3A_178 = arith.constant 3 : i32
      %swap3A_179 = arith.index_cast %swap3A_178 : i32 to index
      %swap3A_180 = arith.constant 16 : index
      %swap3A_181 = tpu.vector_load %arg12[%swap3A_179, %swap3A_180] {strides = array<i32>} : memref<16x128xf32, #tpu.memory_space<vmem>>, vector<1x16xf32>,
      %swap3A_182 = vector.shape_cast %swap3A_181 : vector<1x16xf32> to vector<16xf32>
      %swap3A_183 = vector.shape_cast %broadcast_in_dim3A_28 : vector<16xf32> to vector<1x16xf32>
      tpu.vector_store %arg12[%swap3A_179, %swap3A_180], %swap3A_183 {strides = array<i32>} : memref<16x128xf32, #tpu.memory_space<vmem>>, vector<1x16xf32>,
      %swap3A_184 = arith.constant 3 : i32
      %swap3A_185 = arith.index_cast %swap3A_184 : i32 to index
      %swap3A_186 = arith.constant 32 : index
      %swap3A_187 = tpu.vector_load %arg12[%swap3A_185, %swap3A_186] {strides = array<i32>} : memref<16x128xf32, #tpu.memory_space<vmem>>, vector<1x16xf32>,
      %swap3A_188 = vector.shape_cast %swap3A_187 : vector<1x16xf32> to vector<16xf32>
      %swap3A_189 = vector.shape_cast %broadcast_in_dim3A_28 : vector<16xf32> to vector<1x16xf32>
      tpu.vector_store %arg12[%swap3A_185, %swap3A_186], %swap3A_189 {strides = array<i32>} : memref<16x128xf32, #tpu.memory_space<vmem>>, vector<1x16xf32>,
      %swap3A_190 = arith.constant 3 : i32
      %swap3A_191 = arith.index_cast %swap3A_190 : i32 to index
      %swap3A_192 = arith.constant 48 : index
      %swap3A_193 = tpu.vector_load %arg12[%swap3A_191, %swap3A_192] {strides = array<i32>} : memref<16x128xf32, #tpu.memory_space<vmem>>, vector<1x16xf32>,
      %swap3A_194 = vector.shape_cast %swap3A_193 : vector<1x16xf32> to vector<16xf32>
      %swap3A_195 = vector.shape_cast %broadcast_in_dim3A_28 : vector<16xf32> to vector<1x16xf32>
      tpu.vector_store %arg12[%swap3A_191, %swap3A_192], %swap3A_195 {strides = array<i32>} : memref<16x128xf32, #tpu.memory_space<vmem>>, vector<1x16xf32>,
      %swap3A_196 = arith.constant 3 : i32
      %swap3A_197 = arith.index_cast %swap3A_196 : i32 to index
      %swap3A_198 = arith.constant 64 : index
      %swap3A_199 = tpu.vector_load %arg12[%swap3A_197, %swap3A_198] {strides = array<i32>} : memref<16x128xf32, #tpu.memory_space<vmem>>, vector<1x16xf32>,
      %swap3A_200 = vector.shape_cast %swap3A_199 : vector<1x16xf32> to vector<16xf32>
      %swap3A_201 = vector.shape_cast %broadcast_in_dim3A_28 : vector<16xf32> to vector<1x16xf32>
      tpu.vector_store %arg12[%swap3A_197, %swap3A_198], %swap3A_201 {strides = array<i32>} : memref<16x128xf32, #tpu.memory_space<vmem>>, vector<1x16xf32>,
      %swap3A_202 = arith.constant 3 : i32
      %swap3A_203 = arith.index_cast %swap3A_202 : i32 to index
      %swap3A_204 = arith.constant 80 : index
      %swap3A_205 = tpu.vector_load %arg12[%swap3A_203, %swap3A_204] {strides = array<i32>} : memref<16x128xf32, #tpu.memory_space<vmem>>, vector<1x16xf32>,
      %swap3A_206 = vector.shape_cast %swap3A_205 : vector<1x16xf32> to vector<16xf32>
      %swap3A_207 = vector.shape_cast %broadcast_in_dim3A_28 : vector<16xf32> to vector<1x16xf32>
      tpu.vector_store %arg12[%swap3A_203, %swap3A_204], %swap3A_207 {strides = array<i32>} : memref<16x128xf32, #tpu.memory_space<vmem>>, vector<1x16xf32>,
      %swap3A_208 = arith.constant 3 : i32
      %swap3A_209 = arith.index_cast %swap3A_208 : i32 to index
      %swap3A_210 = arith.constant 96 : index
      %swap3A_211 = tpu.vector_load %arg12[%swap3A_209, %swap3A_210] {strides = array<i32>} : memref<16x128xf32, #tpu.memory_space<vmem>>, vector<1x16xf32>,
      %swap3A_212 = vector.shape_cast %swap3A_211 : vector<1x16xf32> to vector<16xf32>
      %swap3A_213 = vector.shape_cast %broadcast_in_dim3A_28 : vector<16xf32> to vector<1x16xf32>
      tpu.vector_store %arg12[%swap3A_209, %swap3A_210], %swap3A_213 {strides = array<i32>} : memref<16x128xf32, #tpu.memory_space<vmem>>, vector<1x16xf32>,
      %swap3A_214 = arith.constant 3 : i32
      %swap3A_215 = arith.index_cast %swap3A_214 : i32 to index
      %swap3A_216 = arith.constant 112 : index
      %swap3A_217 = tpu.vector_load %arg12[%swap3A_215, %swap3A_216] {strides = array<i32>} : memref<16x128xf32, #tpu.memory_space<vmem>>, vector<1x16xf32>,
      %swap3A_218 = vector.shape_cast %swap3A_217 : vector<1x16xf32> to vector<16xf32>
      %swap3A_219 = vector.shape_cast %broadcast_in_dim3A_28 : vector<16xf32> to vector<1x16xf32>
      tpu.vector_store %arg12[%swap3A_215, %swap3A_216], %swap3A_219 {strides = array<i32>} : memref<16x128xf32, #tpu.memory_space<vmem>>, vector<1x16xf32>,
      %swap3A_220 = arith.constant 4 : i32
      %swap3A_221 = arith.index_cast %swap3A_220 : i32 to index
      %swap3A_222 = arith.constant 0 : index
      %swap3A_223 = tpu.vector_load %arg12[%swap3A_221, %swap3A_222] {strides = array<i32>} : memref<16x128xf32, #tpu.memory_space<vmem>>, vector<1x16xf32>,
      %swap3A_224 = vector.shape_cast %swap3A_223 : vector<1x16xf32> to vector<16xf32>
      %swap3A_225 = vector.shape_cast %broadcast_in_dim3A_28 : vector<16xf32> to vector<1x16xf32>
      tpu.vector_store %arg12[%swap3A_221, %swap3A_222], %swap3A_225 {strides = array<i32>} : memref<16x128xf32, #tpu.memory_space<vmem>>, vector<1x16xf32>,
      %swap3A_226 = arith.constant 4 : i32
      %swap3A_227 = arith.index_cast %swap3A_226 : i32 to index
      %swap3A_228 = arith.constant 16 : index
      %swap3A_229 = tpu.vector_load %arg12[%swap3A_227, %swap3A_228] {strides = array<i32>} : memref<16x128xf32, #tpu.memory_space<vmem>>, vector<1x16xf32>,
      %swap3A_230 = vector.shape_cast %swap3A_229 : vector<1x16xf32> to vector<16xf32>
      %swap3A_231 = vector.shape_cast %broadcast_in_dim3A_28 : vector<16xf32> to vector<1x16xf32>
      tpu.vector_store %arg12[%swap3A_227, %swap3A_228], %swap3A_231 {strides = array<i32>} : memref<16x128xf32, #tpu.memory_space<vmem>>, vector<1x16xf32>,
      %swap3A_232 = arith.constant 4 : i32
      %swap3A_233 = arith.index_cast %swap3A_232 : i32 to index
      %swap3A_234 = arith.constant 32 : index
      %swap3A_235 = tpu.vector_load %arg12[%swap3A_233, %swap3A_234] {strides = array<i32>} : memref<16x128xf32, #tpu.memory_space<vmem>>, vector<1x16xf32>,
      %swap3A_236 = vector.shape_cast %swap3A_235 : vector<1x16xf32> to vector<16xf32>
      %swap3A_237 = vector.shape_cast %broadcast_in_dim3A_28 : vector<16xf32> to vector<1x16xf32>
      tpu.vector_store %arg12[%swap3A_233, %swap3A_234], %swap3A_237 {strides = array<i32>} : memref<16x128xf32, #tpu.memory_space<vmem>>, vector<1x16xf32>,
      %swap3A_238 = arith.constant 4 : i32
      %swap3A_239 = arith.index_cast %swap3A_238 : i32 to index
      %swap3A_240 = arith.constant 48 : index
      %swap3A_241 = tpu.vector_load %arg12[%swap3A_239, %swap3A_240] {strides = array<i32>} : memref<16x128xf32, #tpu.memory_space<vmem>>, vector<1x16xf32>,
      %swap3A_242 = vector.shape_cast %swap3A_241 : vector<1x16xf32> to vector<16xf32>
      %swap3A_243 = vector.shape_cast %broadcast_in_dim3A_28 : vector<16xf32> to vector<1x16xf32>
      tpu.vector_store %arg12[%swap3A_239, %swap3A_240], %swap3A_243 {strides = array<i32>} : memref<16x128xf32, #tpu.memory_space<vmem>>, vector<1x16xf32>,
      %swap3A_244 = arith.constant 4 : i32
      %swap3A_245 = arith.index_cast %swap3A_244 : i32 to index
      %swap3A_246 = arith.constant 64 : index
      %swap3A_247 = tpu.vector_load %arg12[%swap3A_245, %swap3A_246] {strides = array<i32>} : memref<16x128xf32, #tpu.memory_space<vmem>>, vector<1x16xf32>,
      %swap3A_248 = vector.shape_cast %swap3A_247 : vector<1x16xf32> to vector<16xf32>
      %swap3A_249 = vector.shape_cast %broadcast_in_dim3A_28 : vector<16xf32> to vector<1x16xf32>
      tpu.vector_store %arg12[%swap3A_245, %swap3A_246], %swap3A_249 {strides = array<i32>} : memref<16x128xf32, #tpu.memory_space<vmem>>, vector<1x16xf32>,
      %swap3A_250 = arith.constant 4 : i32
      %swap3A_251 = arith.index_cast %swap3A_250 : i32 to index
      %swap3A_252 = arith.constant 80 : index
      %swap3A_253 = tpu.vector_load %arg12[%swap3A_251, %swap3A_252] {strides = array<i32>} : memref<16x128xf32, #tpu.memory_space<vmem>>, vector<1x16xf32>,
      %swap3A_254 = vector.shape_cast %swap3A_253 : vector<1x16xf32> to vector<16xf32>
      %swap3A_255 = vector.shape_cast %broadcast_in_dim3A_28 : vector<16xf32> to vector<1x16xf32>
      tpu.vector_store %arg12[%swap3A_251, %swap3A_252], %swap3A_255 {strides = array<i32>} : memref<16x128xf32, #tpu.memory_space<vmem>>, vector<1x16xf32>,
      %swap3A_256 = arith.constant 4 : i32
      %swap3A_257 = arith.index_cast %swap3A_256 : i32 to index
      %swap3A_258 = arith.constant 96 : index
      %swap3A_259 = tpu.vector_load %arg12[%swap3A_257, %swap3A_258] {strides = array<i32>} : memref<16x128xf32, #tpu.memory_space<vmem>>, vector<1x16xf32>,
      %swap3A_260 = vector.shape_cast %swap3A_259 : vector<1x16xf32> to vector<16xf32>
      %swap3A_261 = vector.shape_cast %broadcast_in_dim3A_28 : vector<16xf32> to vector<1x16xf32>
      tpu.vector_store %arg12[%swap3A_257, %swap3A_258], %swap3A_261 {strides = array<i32>} : memref<16x128xf32, #tpu.memory_space<vmem>>, vector<1x16xf32>,
      %swap3A_262 = arith.constant 4 : i32
      %swap3A_263 = arith.index_cast %swap3A_262 : i32 to index
      %swap3A_264 = arith.constant 112 : index
      %swap3A_265 = tpu.vector_load %arg12[%swap3A_263, %swap3A_264] {strides = array<i32>} : memref<16x128xf32, #tpu.memory_space<vmem>>, vector<1x16xf32>,
      %swap3A_266 = vector.shape_cast %swap3A_265 : vector<1x16xf32> to vector<16xf32>
      %swap3A_267 = vector.shape_cast %broadcast_in_dim3A_28 : vector<16xf32> to vector<1x16xf32>
      tpu.vector_store %arg12[%swap3A_263, %swap3A_264], %swap3A_267 {strides = array<i32>} : memref<16x128xf32, #tpu.memory_space<vmem>>, vector<1x16xf32>,
      %swap3A_268 = arith.constant 5 : i32
      %swap3A_269 = arith.index_cast %swap3A_268 : i32 to index
      %swap3A_270 = arith.constant 0 : index
      %swap3A_271 = tpu.vector_load %arg12[%swap3A_269, %swap3A_270] {strides = array<i32>} : memref<16x128xf32, #tpu.memory_space<vmem>>, vector<1x16xf32>,
      %swap3A_272 = vector.shape_cast %swap3A_271 : vector<1x16xf32> to vector<16xf32>
      %swap3A_273 = vector.shape_cast %broadcast_in_dim3A_28 : vector<16xf32> to vector<1x16xf32>
      tpu.vector_store %arg12[%swap3A_269, %swap3A_270], %swap3A_273 {strides = array<i32>} : memref<16x128xf32, #tpu.memory_space<vmem>>, vector<1x16xf32>,
      %swap3A_274 = arith.constant 5 : i32
      %swap3A_275 = arith.index_cast %swap3A_274 : i32 to index
      %swap3A_276 = arith.constant 16 : index
      %swap3A_277 = tpu.vector_load %arg12[%swap3A_275, %swap3A_276] {strides = array<i32>} : memref<16x128xf32, #tpu.memory_space<vmem>>, vector<1x16xf32>,
      %swap3A_278 = vector.shape_cast %swap3A_277 : vector<1x16xf32> to vector<16xf32>
      %swap3A_279 = vector.shape_cast %broadcast_in_dim3A_28 : vector<16xf32> to vector<1x16xf32>
      tpu.vector_store %arg12[%swap3A_275, %swap3A_276], %swap3A_279 {strides = array<i32>} : memref<16x128xf32, #tpu.memory_space<vmem>>, vector<1x16xf32>,
      %swap3A_280 = arith.constant 5 : i32
      %swap3A_281 = arith.index_cast %swap3A_280 : i32 to index
      %swap3A_282 = arith.constant 32 : index
      %swap3A_283 = tpu.vector_load %arg12[%swap3A_281, %swap3A_282] {strides = array<i32>} : memref<16x128xf32, #tpu.memory_space<vmem>>, vector<1x16xf32>,
      %swap3A_284 = vector.shape_cast %swap3A_283 : vector<1x16xf32> to vector<16xf32>
      %swap3A_285 = vector.shape_cast %broadcast_in_dim3A_28 : vector<16xf32> to vector<1x16xf32>
      tpu.vector_store %arg12[%swap3A_281, %swap3A_282], %swap3A_285 {strides = array<i32>} : memref<16x128xf32, #tpu.memory_space<vmem>>, vector<1x16xf32>,
      %swap3A_286 = arith.constant 5 : i32
      %swap3A_287 = arith.index_cast %swap3A_286 : i32 to index
      %swap3A_288 = arith.constant 48 : index
      %swap3A_289 = tpu.vector_load %arg12[%swap3A_287, %swap3A_288] {strides = array<i32>} : memref<16x128xf32, #tpu.memory_space<vmem>>, vector<1x16xf32>,
      %swap3A_290 = vector.shape_cast %swap3A_289 : vector<1x16xf32> to vector<16xf32>
      %swap3A_291 = vector.shape_cast %broadcast_in_dim3A_28 : vector<16xf32> to vector<1x16xf32>
      tpu.vector_store %arg12[%swap3A_287, %swap3A_288], %swap3A_291 {strides = array<i32>} : memref<16x128xf32, #tpu.memory_space<vmem>>, vector<1x16xf32>,
      %swap3A_292 = arith.constant 5 : i32
      %swap3A_293 = arith.index_cast %swap3A_292 : i32 to index
      %swap3A_294 = arith.constant 64 : index
      %swap3A_295 = tpu.vector_load %arg12[%swap3A_293, %swap3A_294] {strides = array<i32>} : memref<16x128xf32, #tpu.memory_space<vmem>>, vector<1x16xf32>,
      %swap3A_296 = vector.shape_cast %swap3A_295 : vector<1x16xf32> to vector<16xf32>
      %swap3A_297 = vector.shape_cast %broadcast_in_dim3A_28 : vector<16xf32> to vector<1x16xf32>
      tpu.vector_store %arg12[%swap3A_293, %swap3A_294], %swap3A_297 {strides = array<i32>} : memref<16x128xf32, #tpu.memory_space<vmem>>, vector<1x16xf32>,
      %swap3A_298 = arith.constant 5 : i32
      %swap3A_299 = arith.index_cast %swap3A_298 : i32 to index
      %swap3A_300 = arith.constant 80 : index
      %swap3A_301 = tpu.vector_load %arg12[%swap3A_299, %swap3A_300] {strides = array<i32>} : memref<16x128xf32, #tpu.memory_space<vmem>>, vector<1x16xf32>,
      %swap3A_302 = vector.shape_cast %swap3A_301 : vector<1x16xf32> to vector<16xf32>
      %swap3A_303 = vector.shape_cast %broadcast_in_dim3A_28 : vector<16xf32> to vector<1x16xf32>
      tpu.vector_store %arg12[%swap3A_299, %swap3A_300], %swap3A_303 {strides = array<i32>} : memref<16x128xf32, #tpu.memory_space<vmem>>, vector<1x16xf32>,
      %swap3A_304 = arith.constant 5 : i32
      %swap3A_305 = arith.index_cast %swap3A_304 : i32 to index
      %swap3A_306 = arith.constant 96 : index
      %swap3A_307 = tpu.vector_load %arg12[%swap3A_305, %swap3A_306] {strides = array<i32>} : memref<16x128xf32, #tpu.memory_space<vmem>>, vector<1x16xf32>,
      %swap3A_308 = vector.shape_cast %swap3A_307 : vector<1x16xf32> to vector<16xf32>
      %swap3A_309 = vector.shape_cast %broadcast_in_dim3A_28 : vector<16xf32> to vector<1x16xf32>
      tpu.vector_store %arg12[%swap3A_305, %swap3A_306], %swap3A_309 {strides = array<i32>} : memref<16x128xf32, #tpu.memory_space<vmem>>, vector<1x16xf32>,
      %swap3A_310 = arith.constant 5 : i32
      %swap3A_311 = arith.index_cast %swap3A_310 : i32 to index
      %swap3A_312 = arith.constant 112 : index
      %swap3A_313 = tpu.vector_load %arg12[%swap3A_311, %swap3A_312] {strides = array<i32>} : memref<16x128xf32, #tpu.memory_space<vmem>>, vector<1x16xf32>,
      %swap3A_314 = vector.shape_cast %swap3A_313 : vector<1x16xf32> to vector<16xf32>
      %swap3A_315 = vector.shape_cast %broadcast_in_dim3A_28 : vector<16xf32> to vector<1x16xf32>
      tpu.vector_store %arg12[%swap3A_311, %swap3A_312], %swap3A_315 {strides = array<i32>} : memref<16x128xf32, #tpu.memory_space<vmem>>, vector<1x16xf32>,
      %swap3A_316 = arith.constant 6 : i32
      %swap3A_317 = arith.index_cast %swap3A_316 : i32 to index
      %swap3A_318 = arith.constant 0 : index
      %swap3A_319 = tpu.vector_load %arg12[%swap3A_317, %swap3A_318] {strides = array<i32>} : memref<16x128xf32, #tpu.memory_space<vmem>>, vector<1x16xf32>,
      %swap3A_320 = vector.shape_cast %swap3A_319 : vector<1x16xf32> to vector<16xf32>
      %swap3A_321 = vector.shape_cast %broadcast_in_dim3A_28 : vector<16xf32> to vector<1x16xf32>
      tpu.vector_store %arg12[%swap3A_317, %swap3A_318], %swap3A_321 {strides = array<i32>} : memref<16x128xf32, #tpu.memory_space<vmem>>, vector<1x16xf32>,
      %swap3A_322 = arith.constant 6 : i32
      %swap3A_323 = arith.index_cast %swap3A_322 : i32 to index
      %swap3A_324 = arith.constant 16 : index
      %swap3A_325 = tpu.vector_load %arg12[%swap3A_323, %swap3A_324] {strides = array<i32>} : memref<16x128xf32, #tpu.memory_space<vmem>>, vector<1x16xf32>,
      %swap3A_326 = vector.shape_cast %swap3A_325 : vector<1x16xf32> to vector<16xf32>
      %swap3A_327 = vector.shape_cast %broadcast_in_dim3A_28 : vector<16xf32> to vector<1x16xf32>
      tpu.vector_store %arg12[%swap3A_323, %swap3A_324], %swap3A_327 {strides = array<i32>} : memref<16x128xf32, #tpu.memory_space<vmem>>, vector<1x16xf32>,
      %swap3A_328 = arith.constant 6 : i32
      %swap3A_329 = arith.index_cast %swap3A_328 : i32 to index
      %swap3A_330 = arith.constant 32 : index
      %swap3A_331 = tpu.vector_load %arg12[%swap3A_329, %swap3A_330] {strides = array<i32>} : memref<16x128xf32, #tpu.memory_space<vmem>>, vector<1x16xf32>,
      %swap3A_332 = vector.shape_cast %swap3A_331 : vector<1x16xf32> to vector<16xf32>
      %swap3A_333 = vector.shape_cast %broadcast_in_dim3A_28 : vector<16xf32> to vector<1x16xf32>
      tpu.vector_store %arg12[%swap3A_329, %swap3A_330], %swap3A_333 {strides = array<i32>} : memref<16x128xf32, #tpu.memory_space<vmem>>, vector<1x16xf32>,
      %swap3A_334 = arith.constant 6 : i32
      %swap3A_335 = arith.index_cast %swap3A_334 : i32 to index
      %swap3A_336 = arith.constant 48 : index
      %swap3A_337 = tpu.vector_load %arg12[%swap3A_335, %swap3A_336] {strides = array<i32>} : memref<16x128xf32, #tpu.memory_space<vmem>>, vector<1x16xf32>,
      %swap3A_338 = vector.shape_cast %swap3A_337 : vector<1x16xf32> to vector<16xf32>
      %swap3A_339 = vector.shape_cast %broadcast_in_dim3A_28 : vector<16xf32> to vector<1x16xf32>
      tpu.vector_store %arg12[%swap3A_335, %swap3A_336], %swap3A_339 {strides = array<i32>} : memref<16x128xf32, #tpu.memory_space<vmem>>, vector<1x16xf32>,
      %swap3A_340 = arith.constant 6 : i32
      %swap3A_341 = arith.index_cast %swap3A_340 : i32 to index
      %swap3A_342 = arith.constant 64 : index
      %swap3A_343 = tpu.vector_load %arg12[%swap3A_341, %swap3A_342] {strides = array<i32>} : memref<16x128xf32, #tpu.memory_space<vmem>>, vector<1x16xf32>,
      %swap3A_344 = vector.shape_cast %swap3A_343 : vector<1x16xf32> to vector<16xf32>
      %swap3A_345 = vector.shape_cast %broadcast_in_dim3A_28 : vector<16xf32> to vector<1x16xf32>
      tpu.vector_store %arg12[%swap3A_341, %swap3A_342], %swap3A_345 {strides = array<i32>} : memref<16x128xf32, #tpu.memory_space<vmem>>, vector<1x16xf32>,
      %swap3A_346 = arith.constant 6 : i32
      %swap3A_347 = arith.index_cast %swap3A_346 : i32 to index
      %swap3A_348 = arith.constant 80 : index
      %swap3A_349 = tpu.vector_load %arg12[%swap3A_347, %swap3A_348] {strides = array<i32>} : memref<16x128xf32, #tpu.memory_space<vmem>>, vector<1x16xf32>,
      %swap3A_350 = vector.shape_cast %swap3A_349 : vector<1x16xf32> to vector<16xf32>
      %swap3A_351 = vector.shape_cast %broadcast_in_dim3A_28 : vector<16xf32> to vector<1x16xf32>
      tpu.vector_store %arg12[%swap3A_347, %swap3A_348], %swap3A_351 {strides = array<i32>} : memref<16x128xf32, #tpu.memory_space<vmem>>, vector<1x16xf32>,
      %swap3A_352 = arith.constant 6 : i32
      %swap3A_353 = arith.index_cast %swap3A_352 : i32 to index
      %swap3A_354 = arith.constant 96 : index
      %swap3A_355 = tpu.vector_load %arg12[%swap3A_353, %swap3A_354] {strides = array<i32>} : memref<16x128xf32, #tpu.memory_space<vmem>>, vector<1x16xf32>,
      %swap3A_356 = vector.shape_cast %swap3A_355 : vector<1x16xf32> to vector<16xf32>
      %swap3A_357 = vector.shape_cast %broadcast_in_dim3A_28 : vector<16xf32> to vector<1x16xf32>
      tpu.vector_store %arg12[%swap3A_353, %swap3A_354], %swap3A_357 {strides = array<i32>} : memref<16x128xf32, #tpu.memory_space<vmem>>, vector<1x16xf32>,
      %swap3A_358 = arith.constant 6 : i32
      %swap3A_359 = arith.index_cast %swap3A_358 : i32 to index
      %swap3A_360 = arith.constant 112 : index
      %swap3A_361 = tpu.vector_load %arg12[%swap3A_359, %swap3A_360] {strides = array<i32>} : memref<16x128xf32, #tpu.memory_space<vmem>>, vector<1x16xf32>,
      %swap3A_362 = vector.shape_cast %swap3A_361 : vector<1x16xf32> to vector<16xf32>
      %swap3A_363 = vector.shape_cast %broadcast_in_dim3A_28 : vector<16xf32> to vector<1x16xf32>
      tpu.vector_store %arg12[%swap3A_359, %swap3A_360], %swap3A_363 {strides = array<i32>} : memref<16x128xf32, #tpu.memory_space<vmem>>, vector<1x16xf32>,
      %swap3A_364 = arith.constant 7 : i32
      %swap3A_365 = arith.index_cast %swap3A_364 : i32 to index
      %swap3A_366 = arith.constant 0 : index
      %swap3A_367 = tpu.vector_load %arg12[%swap3A_365, %swap3A_366] {strides = array<i32>} : memref<16x128xf32, #tpu.memory_space<vmem>>, vector<1x16xf32>,
      %swap3A_368 = vector.shape_cast %swap3A_367 : vector<1x16xf32> to vector<16xf32>
      %swap3A_369 = vector.shape_cast %broadcast_in_dim3A_28 : vector<16xf32> to vector<1x16xf32>
      tpu.vector_store %arg12[%swap3A_365, %swap3A_366], %swap3A_369 {strides = array<i32>} : memref<16x128xf32, #tpu.memory_space<vmem>>, vector<1x16xf32>,
      %swap3A_370 = arith.constant 7 : i32
      %swap3A_371 = arith.index_cast %swap3A_370 : i32 to index
      %swap3A_372 = arith.constant 16 : index
      %swap3A_373 = tpu.vector_load %arg12[%swap3A_371, %swap3A_372] {strides = array<i32>} : memref<16x128xf32, #tpu.memory_space<vmem>>, vector<1x16xf32>,
      %swap3A_374 = vector.shape_cast %swap3A_373 : vector<1x16xf32> to vector<16xf32>
      %swap3A_375 = vector.shape_cast %broadcast_in_dim3A_28 : vector<16xf32> to vector<1x16xf32>
      tpu.vector_store %arg12[%swap3A_371, %swap3A_372], %swap3A_375 {strides = array<i32>} : memref<16x128xf32, #tpu.memory_space<vmem>>, vector<1x16xf32>,
      %swap3A_376 = arith.constant 7 : i32
      %swap3A_377 = arith.index_cast %swap3A_376 : i32 to index
      %swap3A_378 = arith.constant 32 : index
      %swap3A_379 = tpu.vector_load %arg12[%swap3A_377, %swap3A_378] {strides = array<i32>} : memref<16x128xf32, #tpu.memory_space<vmem>>, vector<1x16xf32>,
      %swap3A_380 = vector.shape_cast %swap3A_379 : vector<1x16xf32> to vector<16xf32>
      %swap3A_381 = vector.shape_cast %broadcast_in_dim3A_28 : vector<16xf32> to vector<1x16xf32>
      tpu.vector_store %arg12[%swap3A_377, %swap3A_378], %swap3A_381 {strides = array<i32>} : memref<16x128xf32, #tpu.memory_space<vmem>>, vector<1x16xf32>,
      %swap3A_382 = arith.constant 7 : i32
      %swap3A_383 = arith.index_cast %swap3A_382 : i32 to index
      %swap3A_384 = arith.constant 48 : index
      %swap3A_385 = tpu.vector_load %arg12[%swap3A_383, %swap3A_384] {strides = array<i32>} : memref<16x128xf32, #tpu.memory_space<vmem>>, vector<1x16xf32>,
      %swap3A_386 = vector.shape_cast %swap3A_385 : vector<1x16xf32> to vector<16xf32>
      %swap3A_387 = vector.shape_cast %broadcast_in_dim3A_28 : vector<16xf32> to vector<1x16xf32>
      tpu.vector_store %arg12[%swap3A_383, %swap3A_384], %swap3A_387 {strides = array<i32>} : memref<16x128xf32, #tpu.memory_space<vmem>>, vector<1x16xf32>,
      %swap3A_388 = arith.constant 7 : i32
      %swap3A_389 = arith.index_cast %swap3A_388 : i32 to index
      %swap3A_390 = arith.constant 64 : index
      %swap3A_391 = tpu.vector_load %arg12[%swap3A_389, %swap3A_390] {strides = array<i32>} : memref<16x128xf32, #tpu.memory_space<vmem>>, vector<1x16xf32>,
      %swap3A_392 = vector.shape_cast %swap3A_391 : vector<1x16xf32> to vector<16xf32>
      %swap3A_393 = vector.shape_cast %broadcast_in_dim3A_28 : vector<16xf32> to vector<1x16xf32>
      tpu.vector_store %arg12[%swap3A_389, %swap3A_390], %swap3A_393 {strides = array<i32>} : memref<16x128xf32, #tpu.memory_space<vmem>>, vector<1x16xf32>,
      %swap3A_394 = arith.constant 7 : i32
      %swap3A_395 = arith.index_cast %swap3A_394 : i32 to index
      %swap3A_396 = arith.constant 80 : index
      %swap3A_397 = tpu.vector_load %arg12[%swap3A_395, %swap3A_396] {strides = array<i32>} : memref<16x128xf32, #tpu.memory_space<vmem>>, vector<1x16xf32>,
      %swap3A_398 = vector.shape_cast %swap3A_397 : vector<1x16xf32> to vector<16xf32>
      %swap3A_399 = vector.shape_cast %broadcast_in_dim3A_28 : vector<16xf32> to vector<1x16xf32>
      tpu.vector_store %arg12[%swap3A_395, %swap3A_396], %swap3A_399 {strides = array<i32>} : memref<16x128xf32, #tpu.memory_space<vmem>>, vector<1x16xf32>,
      %swap3A_400 = arith.constant 7 : i32
      %swap3A_401 = arith.index_cast %swap3A_400 : i32 to index
      %swap3A_402 = arith.constant 96 : index
      %swap3A_403 = tpu.vector_load %arg12[%swap3A_401, %swap3A_402] {strides = array<i32>} : memref<16x128xf32, #tpu.memory_space<vmem>>, vector<1x16xf32>,
      %swap3A_404 = vector.shape_cast %swap3A_403 : vector<1x16xf32> to vector<16xf32>
      %swap3A_405 = vector.shape_cast %broadcast_in_dim3A_28 : vector<16xf32> to vector<1x16xf32>
      tpu.vector_store %arg12[%swap3A_401, %swap3A_402], %swap3A_405 {strides = array<i32>} : memref<16x128xf32, #tpu.memory_space<vmem>>, vector<1x16xf32>,
      %swap3A_406 = arith.constant 7 : i32
      %swap3A_407 = arith.index_cast %swap3A_406 : i32 to index
      %swap3A_408 = arith.constant 112 : index
      %swap3A_409 = tpu.vector_load %arg12[%swap3A_407, %swap3A_408] {strides = array<i32>} : memref<16x128xf32, #tpu.memory_space<vmem>>, vector<1x16xf32>,
      %swap3A_410 = vector.shape_cast %swap3A_409 : vector<1x16xf32> to vector<16xf32>
      %swap3A_411 = vector.shape_cast %broadcast_in_dim3A_28 : vector<16xf32> to vector<1x16xf32>
      tpu.vector_store %arg12[%swap3A_407, %swap3A_408], %swap3A_411 {strides = array<i32>} : memref<16x128xf32, #tpu.memory_space<vmem>>, vector<1x16xf32>,
      %swap3A_412 = arith.constant 8 : i32
      %swap3A_413 = arith.index_cast %swap3A_412 : i32 to index
      %swap3A_414 = arith.constant 0 : index
      %swap3A_415 = tpu.vector_load %arg12[%swap3A_413, %swap3A_414] {strides = array<i32>} : memref<16x128xf32, #tpu.memory_space<vmem>>, vector<1x16xf32>,
      %swap3A_416 = vector.shape_cast %swap3A_415 : vector<1x16xf32> to vector<16xf32>
      %swap3A_417 = vector.shape_cast %broadcast_in_dim3A_28 : vector<16xf32> to vector<1x16xf32>
      tpu.vector_store %arg12[%swap3A_413, %swap3A_414], %swap3A_417 {strides = array<i32>} : memref<16x128xf32, #tpu.memory_space<vmem>>, vector<1x16xf32>,
      %swap3A_418 = arith.constant 8 : i32
      %swap3A_419 = arith.index_cast %swap3A_418 : i32 to index
      %swap3A_420 = arith.constant 16 : index
      %swap3A_421 = tpu.vector_load %arg12[%swap3A_419, %swap3A_420] {strides = array<i32>} : memref<16x128xf32, #tpu.memory_space<vmem>>, vector<1x16xf32>,
      %swap3A_422 = vector.shape_cast %swap3A_421 : vector<1x16xf32> to vector<16xf32>
      %swap3A_423 = vector.shape_cast %broadcast_in_dim3A_28 : vector<16xf32> to vector<1x16xf32>
      tpu.vector_store %arg12[%swap3A_419, %swap3A_420], %swap3A_423 {strides = array<i32>} : memref<16x128xf32, #tpu.memory_space<vmem>>, vector<1x16xf32>,
      %swap3A_424 = arith.constant 8 : i32
      %swap3A_425 = arith.index_cast %swap3A_424 : i32 to index
      %swap3A_426 = arith.constant 32 : index
      %swap3A_427 = tpu.vector_load %arg12[%swap3A_425, %swap3A_426] {strides = array<i32>} : memref<16x128xf32, #tpu.memory_space<vmem>>, vector<1x16xf32>,
      %swap3A_428 = vector.shape_cast %swap3A_427 : vector<1x16xf32> to vector<16xf32>
      %swap3A_429 = vector.shape_cast %broadcast_in_dim3A_28 : vector<16xf32> to vector<1x16xf32>
      tpu.vector_store %arg12[%swap3A_425, %swap3A_426], %swap3A_429 {strides = array<i32>} : memref<16x128xf32, #tpu.memory_space<vmem>>, vector<1x16xf32>,
      %swap3A_430 = arith.constant 8 : i32
      %swap3A_431 = arith.index_cast %swap3A_430 : i32 to index
      %swap3A_432 = arith.constant 48 : index
      %swap3A_433 = tpu.vector_load %arg12[%swap3A_431, %swap3A_432] {strides = array<i32>} : memref<16x128xf32, #tpu.memory_space<vmem>>, vector<1x16xf32>,
      %swap3A_434 = vector.shape_cast %swap3A_433 : vector<1x16xf32> to vector<16xf32>
      %swap3A_435 = vector.shape_cast %broadcast_in_dim3A_28 : vector<16xf32> to vector<1x16xf32>
      tpu.vector_store %arg12[%swap3A_431, %swap3A_432], %swap3A_435 {strides = array<i32>} : memref<16x128xf32, #tpu.memory_space<vmem>>, vector<1x16xf32>,
      %swap3A_436 = arith.constant 8 : i32
      %swap3A_437 = arith.index_cast %swap3A_436 : i32 to index
      %swap3A_438 = arith.constant 64 : index
      %swap3A_439 = tpu.vector_load %arg12[%swap3A_437, %swap3A_438] {strides = array<i32>} : memref<16x128xf32, #tpu.memory_space<vmem>>, vector<1x16xf32>,
      %swap3A_440 = vector.shape_cast %swap3A_439 : vector<1x16xf32> to vector<16xf32>
      %swap3A_441 = vector.shape_cast %broadcast_in_dim3A_28 : vector<16xf32> to vector<1x16xf32>
      tpu.vector_store %arg12[%swap3A_437, %swap3A_438], %swap3A_441 {strides = array<i32>} : memref<16x128xf32, #tpu.memory_space<vmem>>, vector<1x16xf32>,
      %swap3A_442 = arith.constant 8 : i32
      %swap3A_443 = arith.index_cast %swap3A_442 : i32 to index
      %swap3A_444 = arith.constant 80 : index
      %swap3A_445 = tpu.vector_load %arg12[%swap3A_443, %swap3A_444] {strides = array<i32>} : memref<16x128xf32, #tpu.memory_space<vmem>>, vector<1x16xf32>,
      %swap3A_446 = vector.shape_cast %swap3A_445 : vector<1x16xf32> to vector<16xf32>
      %swap3A_447 = vector.shape_cast %broadcast_in_dim3A_28 : vector<16xf32> to vector<1x16xf32>
      tpu.vector_store %arg12[%swap3A_443, %swap3A_444], %swap3A_447 {strides = array<i32>} : memref<16x128xf32, #tpu.memory_space<vmem>>, vector<1x16xf32>,
      %swap3A_448 = arith.constant 8 : i32
      %swap3A_449 = arith.index_cast %swap3A_448 : i32 to index
      %swap3A_450 = arith.constant 96 : index
      %swap3A_451 = tpu.vector_load %arg12[%swap3A_449, %swap3A_450] {strides = array<i32>} : memref<16x128xf32, #tpu.memory_space<vmem>>, vector<1x16xf32>,
      %swap3A_452 = vector.shape_cast %swap3A_451 : vector<1x16xf32> to vector<16xf32>
      %swap3A_453 = vector.shape_cast %broadcast_in_dim3A_28 : vector<16xf32> to vector<1x16xf32>
      tpu.vector_store %arg12[%swap3A_449, %swap3A_450], %swap3A_453 {strides = array<i32>} : memref<16x128xf32, #tpu.memory_space<vmem>>, vector<1x16xf32>,
      %swap3A_454 = arith.constant 8 : i32
      %swap3A_455 = arith.index_cast %swap3A_454 : i32 to index
      %swap3A_456 = arith.constant 112 : index
      %swap3A_457 = tpu.vector_load %arg12[%swap3A_455, %swap3A_456] {strides = array<i32>} : memref<16x128xf32, #tpu.memory_space<vmem>>, vector<1x16xf32>,
      %swap3A_458 = vector.shape_cast %swap3A_457 : vector<1x16xf32> to vector<16xf32>
      %swap3A_459 = vector.shape_cast %broadcast_in_dim3A_28 : vector<16xf32> to vector<1x16xf32>
      tpu.vector_store %arg12[%swap3A_455, %swap3A_456], %swap3A_459 {strides = array<i32>} : memref<16x128xf32, #tpu.memory_space<vmem>>, vector<1x16xf32>,
      %swap3A_460 = arith.constant 9 : i32
      %swap3A_461 = arith.index_cast %swap3A_460 : i32 to index
      %swap3A_462 = arith.constant 0 : index
      %swap3A_463 = tpu.vector_load %arg12[%swap3A_461, %swap3A_462] {strides = array<i32>} : memref<16x128xf32, #tpu.memory_space<vmem>>, vector<1x16xf32>,
      %swap3A_464 = vector.shape_cast %swap3A_463 : vector<1x16xf32> to vector<16xf32>
      %swap3A_465 = vector.shape_cast %broadcast_in_dim3A_28 : vector<16xf32> to vector<1x16xf32>
      tpu.vector_store %arg12[%swap3A_461, %swap3A_462], %swap3A_465 {strides = array<i32>} : memref<16x128xf32, #tpu.memory_space<vmem>>, vector<1x16xf32>,
      %swap3A_466 = arith.constant 9 : i32
      %swap3A_467 = arith.index_cast %swap3A_466 : i32 to index
      %swap3A_468 = arith.constant 16 : index
      %swap3A_469 = tpu.vector_load %arg12[%swap3A_467, %swap3A_468] {strides = array<i32>} : memref<16x128xf32, #tpu.memory_space<vmem>>, vector<1x16xf32>,
      %swap3A_470 = vector.shape_cast %swap3A_469 : vector<1x16xf32> to vector<16xf32>
      %swap3A_471 = vector.shape_cast %broadcast_in_dim3A_28 : vector<16xf32> to vector<1x16xf32>
      tpu.vector_store %arg12[%swap3A_467, %swap3A_468], %swap3A_471 {strides = array<i32>} : memref<16x128xf32, #tpu.memory_space<vmem>>, vector<1x16xf32>,
      %swap3A_472 = arith.constant 9 : i32
      %swap3A_473 = arith.index_cast %swap3A_472 : i32 to index
      %swap3A_474 = arith.constant 32 : index
      %swap3A_475 = tpu.vector_load %arg12[%swap3A_473, %swap3A_474] {strides = array<i32>} : memref<16x128xf32, #tpu.memory_space<vmem>>, vector<1x16xf32>,
      %swap3A_476 = vector.shape_cast %swap3A_475 : vector<1x16xf32> to vector<16xf32>
      %swap3A_477 = vector.shape_cast %broadcast_in_dim3A_28 : vector<16xf32> to vector<1x16xf32>
      tpu.vector_store %arg12[%swap3A_473, %swap3A_474], %swap3A_477 {strides = array<i32>} : memref<16x128xf32, #tpu.memory_space<vmem>>, vector<1x16xf32>,
      %swap3A_478 = arith.constant 9 : i32
      %swap3A_479 = arith.index_cast %swap3A_478 : i32 to index
      %swap3A_480 = arith.constant 48 : index
      %swap3A_481 = tpu.vector_load %arg12[%swap3A_479, %swap3A_480] {strides = array<i32>} : memref<16x128xf32, #tpu.memory_space<vmem>>, vector<1x16xf32>,
      %swap3A_482 = vector.shape_cast %swap3A_481 : vector<1x16xf32> to vector<16xf32>
      %swap3A_483 = vector.shape_cast %broadcast_in_dim3A_28 : vector<16xf32> to vector<1x16xf32>
      tpu.vector_store %arg12[%swap3A_479, %swap3A_480], %swap3A_483 {strides = array<i32>} : memref<16x128xf32, #tpu.memory_space<vmem>>, vector<1x16xf32>,
      %swap3A_484 = arith.constant 9 : i32
      %swap3A_485 = arith.index_cast %swap3A_484 : i32 to index
      %swap3A_486 = arith.constant 64 : index
      %swap3A_487 = tpu.vector_load %arg12[%swap3A_485, %swap3A_486] {strides = array<i32>} : memref<16x128xf32, #tpu.memory_space<vmem>>, vector<1x16xf32>,
      %swap3A_488 = vector.shape_cast %swap3A_487 : vector<1x16xf32> to vector<16xf32>
      %swap3A_489 = vector.shape_cast %broadcast_in_dim3A_28 : vector<16xf32> to vector<1x16xf32>
      tpu.vector_store %arg12[%swap3A_485, %swap3A_486], %swap3A_489 {strides = array<i32>} : memref<16x128xf32, #tpu.memory_space<vmem>>, vector<1x16xf32>,
      %swap3A_490 = arith.constant 9 : i32
      %swap3A_491 = arith.index_cast %swap3A_490 : i32 to index
      %swap3A_492 = arith.constant 80 : index
      %swap3A_493 = tpu.vector_load %arg12[%swap3A_491, %swap3A_492] {strides = array<i32>} : memref<16x128xf32, #tpu.memory_space<vmem>>, vector<1x16xf32>,
      %swap3A_494 = vector.shape_cast %swap3A_493 : vector<1x16xf32> to vector<16xf32>
      %swap3A_495 = vector.shape_cast %broadcast_in_dim3A_28 : vector<16xf32> to vector<1x16xf32>
      tpu.vector_store %arg12[%swap3A_491, %swap3A_492], %swap3A_495 {strides = array<i32>} : memref<16x128xf32, #tpu.memory_space<vmem>>, vector<1x16xf32>,
      %swap3A_496 = arith.constant 9 : i32
      %swap3A_497 = arith.index_cast %swap3A_496 : i32 to index
      %swap3A_498 = arith.constant 96 : index
      %swap3A_499 = tpu.vector_load %arg12[%swap3A_497, %swap3A_498] {strides = array<i32>} : memref<16x128xf32, #tpu.memory_space<vmem>>, vector<1x16xf32>,
      %swap3A_500 = vector.shape_cast %swap3A_499 : vector<1x16xf32> to vector<16xf32>
      %swap3A_501 = vector.shape_cast %broadcast_in_dim3A_28 : vector<16xf32> to vector<1x16xf32>
      tpu.vector_store %arg12[%swap3A_497, %swap3A_498], %swap3A_501 {strides = array<i32>} : memref<16x128xf32, #tpu.memory_space<vmem>>, vector<1x16xf32>,
      %swap3A_502 = arith.constant 9 : i32
      %swap3A_503 = arith.index_cast %swap3A_502 : i32 to index
      %swap3A_504 = arith.constant 112 : index
      %swap3A_505 = tpu.vector_load %arg12[%swap3A_503, %swap3A_504] {strides = array<i32>} : memref<16x128xf32, #tpu.memory_space<vmem>>, vector<1x16xf32>,
      %swap3A_506 = vector.shape_cast %swap3A_505 : vector<1x16xf32> to vector<16xf32>
      %swap3A_507 = vector.shape_cast %broadcast_in_dim3A_28 : vector<16xf32> to vector<1x16xf32>
      tpu.vector_store %arg12[%swap3A_503, %swap3A_504], %swap3A_507 {strides = array<i32>} : memref<16x128xf32, #tpu.memory_space<vmem>>, vector<1x16xf32>,
      %swap3A_508 = arith.constant 10 : i32
      %swap3A_509 = arith.index_cast %swap3A_508 : i32 to index
      %swap3A_510 = arith.constant 0 : index
      %swap3A_511 = tpu.vector_load %arg12[%swap3A_509, %swap3A_510] {strides = array<i32>} : memref<16x128xf32, #tpu.memory_space<vmem>>, vector<1x16xf32>,
      %swap3A_512 = vector.shape_cast %swap3A_511 : vector<1x16xf32> to vector<16xf32>
      %swap3A_513 = vector.shape_cast %broadcast_in_dim3A_28 : vector<16xf32> to vector<1x16xf32>
      tpu.vector_store %arg12[%swap3A_509, %swap3A_510], %swap3A_513 {strides = array<i32>} : memref<16x128xf32, #tpu.memory_space<vmem>>, vector<1x16xf32>,
      %swap3A_514 = arith.constant 10 : i32
      %swap3A_515 = arith.index_cast %swap3A_514 : i32 to index
      %swap3A_516 = arith.constant 16 : index
      %swap3A_517 = tpu.vector_load %arg12[%swap3A_515, %swap3A_516] {strides = array<i32>} : memref<16x128xf32, #tpu.memory_space<vmem>>, vector<1x16xf32>,
      %swap3A_518 = vector.shape_cast %swap3A_517 : vector<1x16xf32> to vector<16xf32>
      %swap3A_519 = vector.shape_cast %broadcast_in_dim3A_28 : vector<16xf32> to vector<1x16xf32>
      tpu.vector_store %arg12[%swap3A_515, %swap3A_516], %swap3A_519 {strides = array<i32>} : memref<16x128xf32, #tpu.memory_space<vmem>>, vector<1x16xf32>,
      %swap3A_520 = arith.constant 10 : i32
      %swap3A_521 = arith.index_cast %swap3A_520 : i32 to index
      %swap3A_522 = arith.constant 32 : index
      %swap3A_523 = tpu.vector_load %arg12[%swap3A_521, %swap3A_522] {strides = array<i32>} : memref<16x128xf32, #tpu.memory_space<vmem>>, vector<1x16xf32>,
      %swap3A_524 = vector.shape_cast %swap3A_523 : vector<1x16xf32> to vector<16xf32>
      %swap3A_525 = vector.shape_cast %broadcast_in_dim3A_28 : vector<16xf32> to vector<1x16xf32>
      tpu.vector_store %arg12[%swap3A_521, %swap3A_522], %swap3A_525 {strides = array<i32>} : memref<16x128xf32, #tpu.memory_space<vmem>>, vector<1x16xf32>,
      %swap3A_526 = arith.constant 10 : i32
      %swap3A_527 = arith.index_cast %swap3A_526 : i32 to index
      %swap3A_528 = arith.constant 48 : index
      %swap3A_529 = tpu.vector_load %arg12[%swap3A_527, %swap3A_528] {strides = array<i32>} : memref<16x128xf32, #tpu.memory_space<vmem>>, vector<1x16xf32>,
      %swap3A_530 = vector.shape_cast %swap3A_529 : vector<1x16xf32> to vector<16xf32>
      %swap3A_531 = vector.shape_cast %broadcast_in_dim3A_28 : vector<16xf32> to vector<1x16xf32>
      tpu.vector_store %arg12[%swap3A_527, %swap3A_528], %swap3A_531 {strides = array<i32>} : memref<16x128xf32, #tpu.memory_space<vmem>>, vector<1x16xf32>,
      %swap3A_532 = arith.constant 10 : i32
      %swap3A_533 = arith.index_cast %swap3A_532 : i32 to index
      %swap3A_534 = arith.constant 64 : index
      %swap3A_535 = tpu.vector_load %arg12[%swap3A_533, %swap3A_534] {strides = array<i32>} : memref<16x128xf32, #tpu.memory_space<vmem>>, vector<1x16xf32>,
      %swap3A_536 = vector.shape_cast %swap3A_535 : vector<1x16xf32> to vector<16xf32>
      %swap3A_537 = vector.shape_cast %broadcast_in_dim3A_28 : vector<16xf32> to vector<1x16xf32>
      tpu.vector_store %arg12[%swap3A_533, %swap3A_534], %swap3A_537 {strides = array<i32>} : memref<16x128xf32, #tpu.memory_space<vmem>>, vector<1x16xf32>,
      %swap3A_538 = arith.constant 10 : i32
      %swap3A_539 = arith.index_cast %swap3A_538 : i32 to index
      %swap3A_540 = arith.constant 80 : index
      %swap3A_541 = tpu.vector_load %arg12[%swap3A_539, %swap3A_540] {strides = array<i32>} : memref<16x128xf32, #tpu.memory_space<vmem>>, vector<1x16xf32>,
      %swap3A_542 = vector.shape_cast %swap3A_541 : vector<1x16xf32> to vector<16xf32>
      %swap3A_543 = vector.shape_cast %broadcast_in_dim3A_28 : vector<16xf32> to vector<1x16xf32>
      tpu.vector_store %arg12[%swap3A_539, %swap3A_540], %swap3A_543 {strides = array<i32>} : memref<16x128xf32, #tpu.memory_space<vmem>>, vector<1x16xf32>,
      %swap3A_544 = arith.constant 10 : i32
      %swap3A_545 = arith.index_cast %swap3A_544 : i32 to index
      %swap3A_546 = arith.constant 96 : index
      %swap3A_547 = tpu.vector_load %arg12[%swap3A_545, %swap3A_546] {strides = array<i32>} : memref<16x128xf32, #tpu.memory_space<vmem>>, vector<1x16xf32>,
      %swap3A_548 = vector.shape_cast %swap3A_547 : vector<1x16xf32> to vector<16xf32>
      %swap3A_549 = vector.shape_cast %broadcast_in_dim3A_28 : vector<16xf32> to vector<1x16xf32>
      tpu.vector_store %arg12[%swap3A_545, %swap3A_546], %swap3A_549 {strides = array<i32>} : memref<16x128xf32, #tpu.memory_space<vmem>>, vector<1x16xf32>,
      %swap3A_550 = arith.constant 10 : i32
      %swap3A_551 = arith.index_cast %swap3A_550 : i32 to index
      %swap3A_552 = arith.constant 112 : index
      %swap3A_553 = tpu.vector_load %arg12[%swap3A_551, %swap3A_552] {strides = array<i32>} : memref<16x128xf32, #tpu.memory_space<vmem>>, vector<1x16xf32>,
      %swap3A_554 = vector.shape_cast %swap3A_553 : vector<1x16xf32> to vector<16xf32>
      %swap3A_555 = vector.shape_cast %broadcast_in_dim3A_28 : vector<16xf32> to vector<1x16xf32>
      tpu.vector_store %arg12[%swap3A_551, %swap3A_552], %swap3A_555 {strides = array<i32>} : memref<16x128xf32, #tpu.memory_space<vmem>>, vector<1x16xf32>,
      %swap3A_556 = arith.constant 11 : i32
      %swap3A_557 = arith.index_cast %swap3A_556 : i32 to index
      %swap3A_558 = arith.constant 0 : index
      %swap3A_559 = tpu.vector_load %arg12[%swap3A_557, %swap3A_558] {strides = array<i32>} : memref<16x128xf32, #tpu.memory_space<vmem>>, vector<1x16xf32>,
      %swap3A_560 = vector.shape_cast %swap3A_559 : vector<1x16xf32> to vector<16xf32>
      %swap3A_561 = vector.shape_cast %broadcast_in_dim3A_28 : vector<16xf32> to vector<1x16xf32>
      tpu.vector_store %arg12[%swap3A_557, %swap3A_558], %swap3A_561 {strides = array<i32>} : memref<16x128xf32, #tpu.memory_space<vmem>>, vector<1x16xf32>,
      %swap3A_562 = arith.constant 11 : i32
      %swap3A_563 = arith.index_cast %swap3A_562 : i32 to index
      %swap3A_564 = arith.constant 16 : index
      %swap3A_565 = tpu.vector_load %arg12[%swap3A_563, %swap3A_564] {strides = array<i32>} : memref<16x128xf32, #tpu.memory_space<vmem>>, vector<1x16xf32>,
      %swap3A_566 = vector.shape_cast %swap3A_565 : vector<1x16xf32> to vector<16xf32>
      %swap3A_567 = vector.shape_cast %broadcast_in_dim3A_28 : vector<16xf32> to vector<1x16xf32>
      tpu.vector_store %arg12[%swap3A_563, %swap3A_564], %swap3A_567 {strides = array<i32>} : memref<16x128xf32, #tpu.memory_space<vmem>>, vector<1x16xf32>,
      %swap3A_568 = arith.constant 11 : i32
      %swap3A_569 = arith.index_cast %swap3A_568 : i32 to index
      %swap3A_570 = arith.constant 32 : index
      %swap3A_571 = tpu.vector_load %arg12[%swap3A_569, %swap3A_570] {strides = array<i32>} : memref<16x128xf32, #tpu.memory_space<vmem>>, vector<1x16xf32>,
      %swap3A_572 = vector.shape_cast %swap3A_571 : vector<1x16xf32> to vector<16xf32>
      %swap3A_573 = vector.shape_cast %broadcast_in_dim3A_28 : vector<16xf32> to vector<1x16xf32>
      tpu.vector_store %arg12[%swap3A_569, %swap3A_570], %swap3A_573 {strides = array<i32>} : memref<16x128xf32, #tpu.memory_space<vmem>>, vector<1x16xf32>,
      %swap3A_574 = arith.constant 11 : i32
      %swap3A_575 = arith.index_cast %swap3A_574 : i32 to index
      %swap3A_576 = arith.constant 48 : index
      %swap3A_577 = tpu.vector_load %arg12[%swap3A_575, %swap3A_576] {strides = array<i32>} : memref<16x128xf32, #tpu.memory_space<vmem>>, vector<1x16xf32>,
      %swap3A_578 = vector.shape_cast %swap3A_577 : vector<1x16xf32> to vector<16xf32>
      %swap3A_579 = vector.shape_cast %broadcast_in_dim3A_28 : vector<16xf32> to vector<1x16xf32>
      tpu.vector_store %arg12[%swap3A_575, %swap3A_576], %swap3A_579 {strides = array<i32>} : memref<16x128xf32, #tpu.memory_space<vmem>>, vector<1x16xf32>,
      %swap3A_580 = arith.constant 11 : i32
      %swap3A_581 = arith.index_cast %swap3A_580 : i32 to index
      %swap3A_582 = arith.constant 64 : index
      %swap3A_583 = tpu.vector_load %arg12[%swap3A_581, %swap3A_582] {strides = array<i32>} : memref<16x128xf32, #tpu.memory_space<vmem>>, vector<1x16xf32>,
      %swap3A_584 = vector.shape_cast %swap3A_583 : vector<1x16xf32> to vector<16xf32>
      %swap3A_585 = vector.shape_cast %broadcast_in_dim3A_28 : vector<16xf32> to vector<1x16xf32>
      tpu.vector_store %arg12[%swap3A_581, %swap3A_582], %swap3A_585 {strides = array<i32>} : memref<16x128xf32, #tpu.memory_space<vmem>>, vector<1x16xf32>,
      %swap3A_586 = arith.constant 11 : i32
      %swap3A_587 = arith.index_cast %swap3A_586 : i32 to index
      %swap3A_588 = arith.constant 80 : index
      %swap3A_589 = tpu.vector_load %arg12[%swap3A_587, %swap3A_588] {strides = array<i32>} : memref<16x128xf32, #tpu.memory_space<vmem>>, vector<1x16xf32>,
      %swap3A_590 = vector.shape_cast %swap3A_589 : vector<1x16xf32> to vector<16xf32>
      %swap3A_591 = vector.shape_cast %broadcast_in_dim3A_28 : vector<16xf32> to vector<1x16xf32>
      tpu.vector_store %arg12[%swap3A_587, %swap3A_588], %swap3A_591 {strides = array<i32>} : memref<16x128xf32, #tpu.memory_space<vmem>>, vector<1x16xf32>,
      %swap3A_592 = arith.constant 11 : i32
      %swap3A_593 = arith.index_cast %swap3A_592 : i32 to index
      %swap3A_594 = arith.constant 96 : index
      %swap3A_595 = tpu.vector_load %arg12[%swap3A_593, %swap3A_594] {strides = array<i32>} : memref<16x128xf32, #tpu.memory_space<vmem>>, vector<1x16xf32>,
      %swap3A_596 = vector.shape_cast %swap3A_595 : vector<1x16xf32> to vector<16xf32>
      %swap3A_597 = vector.shape_cast %broadcast_in_dim3A_28 : vector<16xf32> to vector<1x16xf32>
      tpu.vector_store %arg12[%swap3A_593, %swap3A_594], %swap3A_597 {strides = array<i32>} : memref<16x128xf32, #tpu.memory_space<vmem>>, vector<1x16xf32>,
      %swap3A_598 = arith.constant 11 : i32
      %swap3A_599 = arith.index_cast %swap3A_598 : i32 to index
      %swap3A_600 = arith.constant 112 : index
      %swap3A_601 = tpu.vector_load %arg12[%swap3A_599, %swap3A_600] {strides = array<i32>} : memref<16x128xf32, #tpu.memory_space<vmem>>, vector<1x16xf32>,
      %swap3A_602 = vector.shape_cast %swap3A_601 : vector<1x16xf32> to vector<16xf32>
      %swap3A_603 = vector.shape_cast %broadcast_in_dim3A_28 : vector<16xf32> to vector<1x16xf32>
      tpu.vector_store %arg12[%swap3A_599, %swap3A_600], %swap3A_603 {strides = array<i32>} : memref<16x128xf32, #tpu.memory_space<vmem>>, vector<1x16xf32>,
      %swap3A_604 = arith.constant 12 : i32
      %swap3A_605 = arith.index_cast %swap3A_604 : i32 to index
      %swap3A_606 = arith.constant 0 : index
      %swap3A_607 = tpu.vector_load %arg12[%swap3A_605, %swap3A_606] {strides = array<i32>} : memref<16x128xf32, #tpu.memory_space<vmem>>, vector<1x16xf32>,
      %swap3A_608 = vector.shape_cast %swap3A_607 : vector<1x16xf32> to vector<16xf32>
      %swap3A_609 = vector.shape_cast %broadcast_in_dim3A_28 : vector<16xf32> to vector<1x16xf32>
      tpu.vector_store %arg12[%swap3A_605, %swap3A_606], %swap3A_609 {strides = array<i32>} : memref<16x128xf32, #tpu.memory_space<vmem>>, vector<1x16xf32>,
      %swap3A_610 = arith.constant 12 : i32
      %swap3A_611 = arith.index_cast %swap3A_610 : i32 to index
      %swap3A_612 = arith.constant 16 : index
      %swap3A_613 = tpu.vector_load %arg12[%swap3A_611, %swap3A_612] {strides = array<i32>} : memref<16x128xf32, #tpu.memory_space<vmem>>, vector<1x16xf32>,
      %swap3A_614 = vector.shape_cast %swap3A_613 : vector<1x16xf32> to vector<16xf32>
      %swap3A_615 = vector.shape_cast %broadcast_in_dim3A_28 : vector<16xf32> to vector<1x16xf32>
      tpu.vector_store %arg12[%swap3A_611, %swap3A_612], %swap3A_615 {strides = array<i32>} : memref<16x128xf32, #tpu.memory_space<vmem>>, vector<1x16xf32>,
      %swap3A_616 = arith.constant 12 : i32
      %swap3A_617 = arith.index_cast %swap3A_616 : i32 to index
      %swap3A_618 = arith.constant 32 : index
      %swap3A_619 = tpu.vector_load %arg12[%swap3A_617, %swap3A_618] {strides = array<i32>} : memref<16x128xf32, #tpu.memory_space<vmem>>, vector<1x16xf32>,
      %swap3A_620 = vector.shape_cast %swap3A_619 : vector<1x16xf32> to vector<16xf32>
      %swap3A_621 = vector.shape_cast %broadcast_in_dim3A_28 : vector<16xf32> to vector<1x16xf32>
      tpu.vector_store %arg12[%swap3A_617, %swap3A_618], %swap3A_621 {strides = array<i32>} : memref<16x128xf32, #tpu.memory_space<vmem>>, vector<1x16xf32>,
      %swap3A_622 = arith.constant 12 : i32
      %swap3A_623 = arith.index_cast %swap3A_622 : i32 to index
      %swap3A_624 = arith.constant 48 : index
      %swap3A_625 = tpu.vector_load %arg12[%swap3A_623, %swap3A_624] {strides = array<i32>} : memref<16x128xf32, #tpu.memory_space<vmem>>, vector<1x16xf32>,
      %swap3A_626 = vector.shape_cast %swap3A_625 : vector<1x16xf32> to vector<16xf32>
      %swap3A_627 = vector.shape_cast %broadcast_in_dim3A_28 : vector<16xf32> to vector<1x16xf32>
      tpu.vector_store %arg12[%swap3A_623, %swap3A_624], %swap3A_627 {strides = array<i32>} : memref<16x128xf32, #tpu.memory_space<vmem>>, vector<1x16xf32>,
      %swap3A_628 = arith.constant 12 : i32
      %swap3A_629 = arith.index_cast %swap3A_628 : i32 to index
      %swap3A_630 = arith.constant 64 : index
      %swap3A_631 = tpu.vector_load %arg12[%swap3A_629, %swap3A_630] {strides = array<i32>} : memref<16x128xf32, #tpu.memory_space<vmem>>, vector<1x16xf32>,
      %swap3A_632 = vector.shape_cast %swap3A_631 : vector<1x16xf32> to vector<16xf32>
      %swap3A_633 = vector.shape_cast %broadcast_in_dim3A_28 : vector<16xf32> to vector<1x16xf32>
      tpu.vector_store %arg12[%swap3A_629, %swap3A_630], %swap3A_633 {strides = array<i32>} : memref<16x128xf32, #tpu.memory_space<vmem>>, vector<1x16xf32>,
      %swap3A_634 = arith.constant 12 : i32
      %swap3A_635 = arith.index_cast %swap3A_634 : i32 to index
      %swap3A_636 = arith.constant 80 : index
      %swap3A_637 = tpu.vector_load %arg12[%swap3A_635, %swap3A_636] {strides = array<i32>} : memref<16x128xf32, #tpu.memory_space<vmem>>, vector<1x16xf32>,
      %swap3A_638 = vector.shape_cast %swap3A_637 : vector<1x16xf32> to vector<16xf32>
      %swap3A_639 = vector.shape_cast %broadcast_in_dim3A_28 : vector<16xf32> to vector<1x16xf32>
      tpu.vector_store %arg12[%swap3A_635, %swap3A_636], %swap3A_639 {strides = array<i32>} : memref<16x128xf32, #tpu.memory_space<vmem>>, vector<1x16xf32>,
      %swap3A_640 = arith.constant 12 : i32
      %swap3A_641 = arith.index_cast %swap3A_640 : i32 to index
      %swap3A_642 = arith.constant 96 : index
      %swap3A_643 = tpu.vector_load %arg12[%swap3A_641, %swap3A_642] {strides = array<i32>} : memref<16x128xf32, #tpu.memory_space<vmem>>, vector<1x16xf32>,
      %swap3A_644 = vector.shape_cast %swap3A_643 : vector<1x16xf32> to vector<16xf32>
      %swap3A_645 = vector.shape_cast %broadcast_in_dim3A_28 : vector<16xf32> to vector<1x16xf32>
      tpu.vector_store %arg12[%swap3A_641, %swap3A_642], %swap3A_645 {strides = array<i32>} : memref<16x128xf32, #tpu.memory_space<vmem>>, vector<1x16xf32>,
      %swap3A_646 = arith.constant 12 : i32
      %swap3A_647 = arith.index_cast %swap3A_646 : i32 to index
      %swap3A_648 = arith.constant 112 : index
      %swap3A_649 = tpu.vector_load %arg12[%swap3A_647, %swap3A_648] {strides = array<i32>} : memref<16x128xf32, #tpu.memory_space<vmem>>, vector<1x16xf32>,
      %swap3A_650 = vector.shape_cast %swap3A_649 : vector<1x16xf32> to vector<16xf32>
      %swap3A_651 = vector.shape_cast %broadcast_in_dim3A_28 : vector<16xf32> to vector<1x16xf32>
      tpu.vector_store %arg12[%swap3A_647, %swap3A_648], %swap3A_651 {strides = array<i32>} : memref<16x128xf32, #tpu.memory_space<vmem>>, vector<1x16xf32>,
      %swap3A_652 = arith.constant 13 : i32
      %swap3A_653 = arith.index_cast %swap3A_652 : i32 to index
      %swap3A_654 = arith.constant 0 : index
      %swap3A_655 = tpu.vector_load %arg12[%swap3A_653, %swap3A_654] {strides = array<i32>} : memref<16x128xf32, #tpu.memory_space<vmem>>, vector<1x16xf32>,
      %swap3A_656 = vector.shape_cast %swap3A_655 : vector<1x16xf32> to vector<16xf32>
      %swap3A_657 = vector.shape_cast %broadcast_in_dim3A_28 : vector<16xf32> to vector<1x16xf32>
      tpu.vector_store %arg12[%swap3A_653, %swap3A_654], %swap3A_657 {strides = array<i32>} : memref<16x128xf32, #tpu.memory_space<vmem>>, vector<1x16xf32>,
      %swap3A_658 = arith.constant 13 : i32
      %swap3A_659 = arith.index_cast %swap3A_658 : i32 to index
      %swap3A_660 = arith.constant 16 : index
      %swap3A_661 = tpu.vector_load %arg12[%swap3A_659, %swap3A_660] {strides = array<i32>} : memref<16x128xf32, #tpu.memory_space<vmem>>, vector<1x16xf32>,
      %swap3A_662 = vector.shape_cast %swap3A_661 : vector<1x16xf32> to vector<16xf32>
      %swap3A_663 = vector.shape_cast %broadcast_in_dim3A_28 : vector<16xf32> to vector<1x16xf32>
      tpu.vector_store %arg12[%swap3A_659, %swap3A_660], %swap3A_663 {strides = array<i32>} : memref<16x128xf32, #tpu.memory_space<vmem>>, vector<1x16xf32>,
      %swap3A_664 = arith.constant 13 : i32
      %swap3A_665 = arith.index_cast %swap3A_664 : i32 to index
      %swap3A_666 = arith.constant 32 : index
      %swap3A_667 = tpu.vector_load %arg12[%swap3A_665, %swap3A_666] {strides = array<i32>} : memref<16x128xf32, #tpu.memory_space<vmem>>, vector<1x16xf32>,
      %swap3A_668 = vector.shape_cast %swap3A_667 : vector<1x16xf32> to vector<16xf32>
      %swap3A_669 = vector.shape_cast %broadcast_in_dim3A_28 : vector<16xf32> to vector<1x16xf32>
      tpu.vector_store %arg12[%swap3A_665, %swap3A_666], %swap3A_669 {strides = array<i32>} : memref<16x128xf32, #tpu.memory_space<vmem>>, vector<1x16xf32>,
      %swap3A_670 = arith.constant 13 : i32
      %swap3A_671 = arith.index_cast %swap3A_670 : i32 to index
      %swap3A_672 = arith.constant 48 : index
      %swap3A_673 = tpu.vector_load %arg12[%swap3A_671, %swap3A_672] {strides = array<i32>} : memref<16x128xf32, #tpu.memory_space<vmem>>, vector<1x16xf32>,
      %swap3A_674 = vector.shape_cast %swap3A_673 : vector<1x16xf32> to vector<16xf32>
      %swap3A_675 = vector.shape_cast %broadcast_in_dim3A_28 : vector<16xf32> to vector<1x16xf32>
      tpu.vector_store %arg12[%swap3A_671, %swap3A_672], %swap3A_675 {strides = array<i32>} : memref<16x128xf32, #tpu.memory_space<vmem>>, vector<1x16xf32>,
      %swap3A_676 = arith.constant 13 : i32
      %swap3A_677 = arith.index_cast %swap3A_676 : i32 to index
      %swap3A_678 = arith.constant 64 : index
      %swap3A_679 = tpu.vector_load %arg12[%swap3A_677, %swap3A_678] {strides = array<i32>} : memref<16x128xf32, #tpu.memory_space<vmem>>, vector<1x16xf32>,
      %swap3A_680 = vector.shape_cast %swap3A_679 : vector<1x16xf32> to vector<16xf32>
      %swap3A_681 = vector.shape_cast %broadcast_in_dim3A_28 : vector<16xf32> to vector<1x16xf32>
      tpu.vector_store %arg12[%swap3A_677, %swap3A_678], %swap3A_681 {strides = array<i32>} : memref<16x128xf32, #tpu.memory_space<vmem>>, vector<1x16xf32>,
      %swap3A_682 = arith.constant 13 : i32
      %swap3A_683 = arith.index_cast %swap3A_682 : i32 to index
      %swap3A_684 = arith.constant 80 : index
      %swap3A_685 = tpu.vector_load %arg12[%swap3A_683, %swap3A_684] {strides = array<i32>} : memref<16x128xf32, #tpu.memory_space<vmem>>, vector<1x16xf32>,
      %swap3A_686 = vector.shape_cast %swap3A_685 : vector<1x16xf32> to vector<16xf32>
      %swap3A_687 = vector.shape_cast %broadcast_in_dim3A_28 : vector<16xf32> to vector<1x16xf32>
      tpu.vector_store %arg12[%swap3A_683, %swap3A_684], %swap3A_687 {strides = array<i32>} : memref<16x128xf32, #tpu.memory_space<vmem>>, vector<1x16xf32>,
      %swap3A_688 = arith.constant 13 : i32
      %swap3A_689 = arith.index_cast %swap3A_688 : i32 to index
      %swap3A_690 = arith.constant 96 : index
      %swap3A_691 = tpu.vector_load %arg12[%swap3A_689, %swap3A_690] {strides = array<i32>} : memref<16x128xf32, #tpu.memory_space<vmem>>, vector<1x16xf32>,
      %swap3A_692 = vector.shape_cast %swap3A_691 : vector<1x16xf32> to vector<16xf32>
      %swap3A_693 = vector.shape_cast %broadcast_in_dim3A_28 : vector<16xf32> to vector<1x16xf32>
      tpu.vector_store %arg12[%swap3A_689, %swap3A_690], %swap3A_693 {strides = array<i32>} : memref<16x128xf32, #tpu.memory_space<vmem>>, vector<1x16xf32>,
      %swap3A_694 = arith.constant 13 : i32
      %swap3A_695 = arith.index_cast %swap3A_694 : i32 to index
      %swap3A_696 = arith.constant 112 : index
      %swap3A_697 = tpu.vector_load %arg12[%swap3A_695, %swap3A_696] {strides = array<i32>} : memref<16x128xf32, #tpu.memory_space<vmem>>, vector<1x16xf32>,
      %swap3A_698 = vector.shape_cast %swap3A_697 : vector<1x16xf32> to vector<16xf32>
      %swap3A_699 = vector.shape_cast %broadcast_in_dim3A_28 : vector<16xf32> to vector<1x16xf32>
      tpu.vector_store %arg12[%swap3A_695, %swap3A_696], %swap3A_699 {strides = array<i32>} : memref<16x128xf32, #tpu.memory_space<vmem>>, vector<1x16xf32>,
      %swap3A_700 = arith.constant 14 : i32
      %swap3A_701 = arith.index_cast %swap3A_700 : i32 to index
      %swap3A_702 = arith.constant 0 : index
      %swap3A_703 = tpu.vector_load %arg12[%swap3A_701, %swap3A_702] {strides = array<i32>} : memref<16x128xf32, #tpu.memory_space<vmem>>, vector<1x16xf32>,
      %swap3A_704 = vector.shape_cast %swap3A_703 : vector<1x16xf32> to vector<16xf32>
      %swap3A_705 = vector.shape_cast %broadcast_in_dim3A_28 : vector<16xf32> to vector<1x16xf32>
      tpu.vector_store %arg12[%swap3A_701, %swap3A_702], %swap3A_705 {strides = array<i32>} : memref<16x128xf32, #tpu.memory_space<vmem>>, vector<1x16xf32>,
      %swap3A_706 = arith.constant 14 : i32
      %swap3A_707 = arith.index_cast %swap3A_706 : i32 to index
      %swap3A_708 = arith.constant 16 : index
      %swap3A_709 = tpu.vector_load %arg12[%swap3A_707, %swap3A_708] {strides = array<i32>} : memref<16x128xf32, #tpu.memory_space<vmem>>, vector<1x16xf32>,
      %swap3A_710 = vector.shape_cast %swap3A_709 : vector<1x16xf32> to vector<16xf32>
      %swap3A_711 = vector.shape_cast %broadcast_in_dim3A_28 : vector<16xf32> to vector<1x16xf32>
      tpu.vector_store %arg12[%swap3A_707, %swap3A_708], %swap3A_711 {strides = array<i32>} : memref<16x128xf32, #tpu.memory_space<vmem>>, vector<1x16xf32>,
      %swap3A_712 = arith.constant 14 : i32
      %swap3A_713 = arith.index_cast %swap3A_712 : i32 to index
      %swap3A_714 = arith.constant 32 : index
      %swap3A_715 = tpu.vector_load %arg12[%swap3A_713, %swap3A_714] {strides = array<i32>} : memref<16x128xf32, #tpu.memory_space<vmem>>, vector<1x16xf32>,
      %swap3A_716 = vector.shape_cast %swap3A_715 : vector<1x16xf32> to vector<16xf32>
      %swap3A_717 = vector.shape_cast %broadcast_in_dim3A_28 : vector<16xf32> to vector<1x16xf32>
      tpu.vector_store %arg12[%swap3A_713, %swap3A_714], %swap3A_717 {strides = array<i32>} : memref<16x128xf32, #tpu.memory_space<vmem>>, vector<1x16xf32>,
      %swap3A_718 = arith.constant 14 : i32
      %swap3A_719 = arith.index_cast %swap3A_718 : i32 to index
      %swap3A_720 = arith.constant 48 : index
      %swap3A_721 = tpu.vector_load %arg12[%swap3A_719, %swap3A_720] {strides = array<i32>} : memref<16x128xf32, #tpu.memory_space<vmem>>, vector<1x16xf32>,
      %swap3A_722 = vector.shape_cast %swap3A_721 : vector<1x16xf32> to vector<16xf32>
      %swap3A_723 = vector.shape_cast %broadcast_in_dim3A_28 : vector<16xf32> to vector<1x16xf32>
      tpu.vector_store %arg12[%swap3A_719, %swap3A_720], %swap3A_723 {strides = array<i32>} : memref<16x128xf32, #tpu.memory_space<vmem>>, vector<1x16xf32>,
      %swap3A_724 = arith.constant 14 : i32
      %swap3A_725 = arith.index_cast %swap3A_724 : i32 to index
      %swap3A_726 = arith.constant 64 : index
      %swap3A_727 = tpu.vector_load %arg12[%swap3A_725, %swap3A_726] {strides = array<i32>} : memref<16x128xf32, #tpu.memory_space<vmem>>, vector<1x16xf32>,
      %swap3A_728 = vector.shape_cast %swap3A_727 : vector<1x16xf32> to vector<16xf32>
      %swap3A_729 = vector.shape_cast %broadcast_in_dim3A_28 : vector<16xf32> to vector<1x16xf32>
      tpu.vector_store %arg12[%swap3A_725, %swap3A_726], %swap3A_729 {strides = array<i32>} : memref<16x128xf32, #tpu.memory_space<vmem>>, vector<1x16xf32>,
      %swap3A_730 = arith.constant 14 : i32
      %swap3A_731 = arith.index_cast %swap3A_730 : i32 to index
      %swap3A_732 = arith.constant 80 : index
      %swap3A_733 = tpu.vector_load %arg12[%swap3A_731, %swap3A_732] {strides = array<i32>} : memref<16x128xf32, #tpu.memory_space<vmem>>, vector<1x16xf32>,
      %swap3A_734 = vector.shape_cast %swap3A_733 : vector<1x16xf32> to vector<16xf32>
      %swap3A_735 = vector.shape_cast %broadcast_in_dim3A_28 : vector<16xf32> to vector<1x16xf32>
      tpu.vector_store %arg12[%swap3A_731, %swap3A_732], %swap3A_735 {strides = array<i32>} : memref<16x128xf32, #tpu.memory_space<vmem>>, vector<1x16xf32>,
      %swap3A_736 = arith.constant 14 : i32
      %swap3A_737 = arith.index_cast %swap3A_736 : i32 to index
      %swap3A_738 = arith.constant 96 : index
      %swap3A_739 = tpu.vector_load %arg12[%swap3A_737, %swap3A_738] {strides = array<i32>} : memref<16x128xf32, #tpu.memory_space<vmem>>, vector<1x16xf32>,
      %swap3A_740 = vector.shape_cast %swap3A_739 : vector<1x16xf32> to vector<16xf32>
      %swap3A_741 = vector.shape_cast %broadcast_in_dim3A_28 : vector<16xf32> to vector<1x16xf32>
      tpu.vector_store %arg12[%swap3A_737, %swap3A_738], %swap3A_741 {strides = array<i32>} : memref<16x128xf32, #tpu.memory_space<vmem>>, vector<1x16xf32>,
      %swap3A_742 = arith.constant 14 : i32
      %swap3A_743 = arith.index_cast %swap3A_742 : i32 to index
      %swap3A_744 = arith.constant 112 : index
      %swap3A_745 = tpu.vector_load %arg12[%swap3A_743, %swap3A_744] {strides = array<i32>} : memref<16x128xf32, #tpu.memory_space<vmem>>, vector<1x16xf32>,
      %swap3A_746 = vector.shape_cast %swap3A_745 : vector<1x16xf32> to vector<16xf32>
      %swap3A_747 = vector.shape_cast %broadcast_in_dim3A_28 : vector<16xf32> to vector<1x16xf32>
      tpu.vector_store %arg12[%swap3A_743, %swap3A_744], %swap3A_747 {strides = array<i32>} : memref<16x128xf32, #tpu.memory_space<vmem>>, vector<1x16xf32>,
      %swap3A_748 = arith.constant 15 : i32
      %swap3A_749 = arith.index_cast %swap3A_748 : i32 to index
      %swap3A_750 = arith.constant 0 : index
      %swap3A_751 = tpu.vector_load %arg12[%swap3A_749, %swap3A_750] {strides = array<i32>} : memref<16x128xf32, #tpu.memory_space<vmem>>, vector<1x16xf32>,
      %swap3A_752 = vector.shape_cast %swap3A_751 : vector<1x16xf32> to vector<16xf32>
      %swap3A_753 = vector.shape_cast %broadcast_in_dim3A_28 : vector<16xf32> to vector<1x16xf32>
      tpu.vector_store %arg12[%swap3A_749, %swap3A_750], %swap3A_753 {strides = array<i32>} : memref<16x128xf32, #tpu.memory_space<vmem>>, vector<1x16xf32>,
      %swap3A_754 = arith.constant 15 : i32
      %swap3A_755 = arith.index_cast %swap3A_754 : i32 to index
      %swap3A_756 = arith.constant 16 : index
      %swap3A_757 = tpu.vector_load %arg12[%swap3A_755, %swap3A_756] {strides = array<i32>} : memref<16x128xf32, #tpu.memory_space<vmem>>, vector<1x16xf32>,
      %swap3A_758 = vector.shape_cast %swap3A_757 : vector<1x16xf32> to vector<16xf32>
      %swap3A_759 = vector.shape_cast %broadcast_in_dim3A_28 : vector<16xf32> to vector<1x16xf32>
      tpu.vector_store %arg12[%swap3A_755, %swap3A_756], %swap3A_759 {strides = array<i32>} : memref<16x128xf32, #tpu.memory_space<vmem>>, vector<1x16xf32>,
      %swap3A_760 = arith.constant 15 : i32
      %swap3A_761 = arith.index_cast %swap3A_760 : i32 to index
      %swap3A_762 = arith.constant 32 : index
      %swap3A_763 = tpu.vector_load %arg12[%swap3A_761, %swap3A_762] {strides = array<i32>} : memref<16x128xf32, #tpu.memory_space<vmem>>, vector<1x16xf32>,
      %swap3A_764 = vector.shape_cast %swap3A_763 : vector<1x16xf32> to vector<16xf32>
      %swap3A_765 = vector.shape_cast %broadcast_in_dim3A_28 : vector<16xf32> to vector<1x16xf32>
      tpu.vector_store %arg12[%swap3A_761, %swap3A_762], %swap3A_765 {strides = array<i32>} : memref<16x128xf32, #tpu.memory_space<vmem>>, vector<1x16xf32>,
      %swap3A_766 = arith.constant 15 : i32
      %swap3A_767 = arith.index_cast %swap3A_766 : i32 to index
      %swap3A_768 = arith.constant 48 : index
      %swap3A_769 = tpu.vector_load %arg12[%swap3A_767, %swap3A_768] {strides = array<i32>} : memref<16x128xf32, #tpu.memory_space<vmem>>, vector<1x16xf32>,
      %swap3A_770 = vector.shape_cast %swap3A_769 : vector<1x16xf32> to vector<16xf32>
      %swap3A_771 = vector.shape_cast %broadcast_in_dim3A_28 : vector<16xf32> to vector<1x16xf32>
      tpu.vector_store %arg12[%swap3A_767, %swap3A_768], %swap3A_771 {strides = array<i32>} : memref<16x128xf32, #tpu.memory_space<vmem>>, vector<1x16xf32>,
      %swap3A_772 = arith.constant 15 : i32
      %swap3A_773 = arith.index_cast %swap3A_772 : i32 to index
      %swap3A_774 = arith.constant 64 : index
      %swap3A_775 = tpu.vector_load %arg12[%swap3A_773, %swap3A_774] {strides = array<i32>} : memref<16x128xf32, #tpu.memory_space<vmem>>, vector<1x16xf32>,
      %swap3A_776 = vector.shape_cast %swap3A_775 : vector<1x16xf32> to vector<16xf32>
      %swap3A_777 = vector.shape_cast %broadcast_in_dim3A_28 : vector<16xf32> to vector<1x16xf32>
      tpu.vector_store %arg12[%swap3A_773, %swap3A_774], %swap3A_777 {strides = array<i32>} : memref<16x128xf32, #tpu.memory_space<vmem>>, vector<1x16xf32>,
      %swap3A_778 = arith.constant 15 : i32
      %swap3A_779 = arith.index_cast %swap3A_778 : i32 to index
      %swap3A_780 = arith.constant 80 : index
      %swap3A_781 = tpu.vector_load %arg12[%swap3A_779, %swap3A_780] {strides = array<i32>} : memref<16x128xf32, #tpu.memory_space<vmem>>, vector<1x16xf32>,
      %swap3A_782 = vector.shape_cast %swap3A_781 : vector<1x16xf32> to vector<16xf32>
      %swap3A_783 = vector.shape_cast %broadcast_in_dim3A_28 : vector<16xf32> to vector<1x16xf32>
      tpu.vector_store %arg12[%swap3A_779, %swap3A_780], %swap3A_783 {strides = array<i32>} : memref<16x128xf32, #tpu.memory_space<vmem>>, vector<1x16xf32>,
      %swap3A_784 = arith.constant 15 : i32
      %swap3A_785 = arith.index_cast %swap3A_784 : i32 to index
      %swap3A_786 = arith.constant 96 : index
      %swap3A_787 = tpu.vector_load %arg12[%swap3A_785, %swap3A_786] {strides = array<i32>} : memref<16x128xf32, #tpu.memory_space<vmem>>, vector<1x16xf32>,
      %swap3A_788 = vector.shape_cast %swap3A_787 : vector<1x16xf32> to vector<16xf32>
      %swap3A_789 = vector.shape_cast %broadcast_in_dim3A_28 : vector<16xf32> to vector<1x16xf32>
      tpu.vector_store %arg12[%swap3A_785, %swap3A_786], %swap3A_789 {strides = array<i32>} : memref<16x128xf32, #tpu.memory_space<vmem>>, vector<1x16xf32>,
      %swap3A_790 = arith.constant 15 : i32
      %swap3A_791 = arith.index_cast %swap3A_790 : i32 to index
      %swap3A_792 = arith.constant 112 : index
      %swap3A_793 = tpu.vector_load %arg12[%swap3A_791, %swap3A_792] {strides = array<i32>} : memref<16x128xf32, #tpu.memory_space<vmem>>, vector<1x16xf32>,
      %swap3A_794 = vector.shape_cast %swap3A_793 : vector<1x16xf32> to vector<16xf32>
      %swap3A_795 = vector.shape_cast %broadcast_in_dim3A_28 : vector<16xf32> to vector<1x16xf32>
      tpu.vector_store %arg12[%swap3A_791, %swap3A_792], %swap3A_795 {strides = array<i32>} : memref<16x128xf32, #tpu.memory_space<vmem>>, vector<1x16xf32>,
      "tpu.region"() ({
        %run_scoped3A = tpu.sem_alloc : memref<!tpu.dma_semaphore, #tpu.memory_space<semaphore_mem>>
        tpu.enqueue_dma source(%arg12 : memref<16x128xf32, #tpu.memory_space<vmem>>) target(%arg13 : memref<16x128xf32, #tpu.memory_space<vmem_shared>>) target_semaphore(%run_scoped3A : memref<!tpu.dma_semaphore, #tpu.memory_space<semaphore_mem>>)
        tpu.wait_dma2 semaphore(%run_scoped3A : memref<!tpu.dma_semaphore, #tpu.memory_space<semaphore_mem>>) src(%arg12 : memref<16x128xf32, #tpu.memory_space<vmem>>) dst(%arg13 : memref<16x128xf32, #tpu.memory_space<vmem_shared>>)
        tpu.yield
      }) : () -> ()
    } else {
    }
    %barrier3A = arith.constant 0 : index
    tpu.barrier barrier_id(%barrier3A)
    %not3A_14 = arith.constant true
    %not3A_15 = arith.xori %eq3A_3, %not3A_14 : i1
    %convert_element_type3A_16 = arith.extui %not3A_15 : i1 to i32
    %cond3A_17 = arith.constant 0 : i32
    %cond3A_18 = arith.cmpi ne, %convert_element_type3A_16, %cond3A_17 : i32
    scf.if %cond3A_18 {
      %add3A_28 = arith.constant 0 : i32
      %add3A_29 = arith.addi %mul3A_2, %add3A_28 : i32
      %dma_wait3A = tpu.memref_slice %arg3[%add3A_29] : memref<10000xi32, #tpu.memory_space<hbm>> -> memref<64xi32, #tpu.memory_space<hbm>>
      %dma_wait3A_30 = tpu.memref_slice %arg3[%add3A_29] : memref<10000xi32, #tpu.memory_space<hbm>> -> memref<64xi32, #tpu.memory_space<hbm>>
      tpu.wait_dma2 semaphore(%arg19 : memref<!tpu.dma_semaphore, #tpu.memory_space<semaphore_mem>>) src(%dma_wait3A_30 : memref<64xi32, #tpu.memory_space<hbm>>) dst(%arg6 : memref<64xi32, #tpu.memory_space<vmem>>)
      %add3A_31 = arith.constant 64 : i32
      %add3A_32 = arith.addi %mul3A_2, %add3A_31 : i32
      %dma_wait3A_33 = tpu.memref_slice %arg3[%add3A_32] : memref<10000xi32, #tpu.memory_space<hbm>> -> memref<64xi32, #tpu.memory_space<hbm>>
      %dma_wait3A_34 = tpu.memref_slice %arg3[%add3A_32] : memref<10000xi32, #tpu.memory_space<hbm>> -> memref<64xi32, #tpu.memory_space<hbm>>
      tpu.wait_dma2 semaphore(%arg19 : memref<!tpu.dma_semaphore, #tpu.memory_space<semaphore_mem>>) src(%dma_wait3A_34 : memref<64xi32, #tpu.memory_space<hbm>>) dst(%arg7 : memref<64xi32, #tpu.memory_space<vmem>>)
      %add3A_35 = arith.constant 128 : i32
      %add3A_36 = arith.addi %mul3A_2, %add3A_35 : i32
      %dma_wait3A_37 = tpu.memref_slice %arg3[%add3A_36] : memref<10000xi32, #tpu.memory_space<hbm>> -> memref<64xi32, #tpu.memory_space<hbm>>
      %dma_wait3A_38 = tpu.memref_slice %arg3[%add3A_36] : memref<10000xi32, #tpu.memory_space<hbm>> -> memref<64xi32, #tpu.memory_space<hbm>>
      tpu.wait_dma2 semaphore(%arg19 : memref<!tpu.dma_semaphore, #tpu.memory_space<semaphore_mem>>) src(%dma_wait3A_38 : memref<64xi32, #tpu.memory_space<hbm>>) dst(%arg8 : memref<64xi32, #tpu.memory_space<vmem>>)
      %add3A_39 = arith.constant 192 : i32
      %add3A_40 = arith.addi %mul3A_2, %add3A_39 : i32
      %dma_wait3A_41 = tpu.memref_slice %arg3[%add3A_40] : memref<10000xi32, #tpu.memory_space<hbm>> -> memref<64xi32, #tpu.memory_space<hbm>>
      %dma_wait3A_42 = tpu.memref_slice %arg3[%add3A_40] : memref<10000xi32, #tpu.memory_space<hbm>> -> memref<64xi32, #tpu.memory_space<hbm>>
      tpu.wait_dma2 semaphore(%arg19 : memref<!tpu.dma_semaphore, #tpu.memory_space<semaphore_mem>>) src(%dma_wait3A_42 : memref<64xi32, #tpu.memory_space<hbm>>) dst(%arg9 : memref<64xi32, #tpu.memory_space<vmem>>)
      %add3A_43 = arith.constant 256 : i32
      %add3A_44 = arith.addi %mul3A_2, %add3A_43 : i32
      %dma_wait3A_45 = tpu.memref_slice %arg3[%add3A_44] : memref<10000xi32, #tpu.memory_space<hbm>> -> memref<64xi32, #tpu.memory_space<hbm>>
      %dma_wait3A_46 = tpu.memref_slice %arg3[%add3A_44] : memref<10000xi32, #tpu.memory_space<hbm>> -> memref<64xi32, #tpu.memory_space<hbm>>
      tpu.wait_dma2 semaphore(%arg19 : memref<!tpu.dma_semaphore, #tpu.memory_space<semaphore_mem>>) src(%dma_wait3A_46 : memref<64xi32, #tpu.memory_space<hbm>>) dst(%arg10 : memref<64xi32, #tpu.memory_space<vmem>>)
      %add3A_47 = arith.constant 0 : i32
      %add3A_48 = arith.addi %mul3A_2, %add3A_47 : i32
      %dma_wait3A_49 = arith.constant 0 : i32
      %dma_wait3A_50 = arith.constant 0 : i32
      %dma_wait3A_51 = tpu.memref_slice %arg5[%dma_wait3A_49, %dma_wait3A_50] : memref<320x128xf32, #tpu.memory_space<vmem>> -> memref<64x128xf32, #tpu.memory_space<vmem>>
      %dma_wait3A_52 = arith.constant 0 : i32
      %dma_wait3A_53 = tpu.memref_slice %arg2[%add3A_48, %dma_wait3A_52] : memref<10000x128xf32, #tpu.memory_space<hbm>> -> memref<64x128xf32, #tpu.memory_space<hbm>>
      %dma_wait3A_54 = arith.constant 0 : i32
      %dma_wait3A_55 = arith.constant 0 : i32
      %dma_wait3A_56 = tpu.memref_slice %arg5[%dma_wait3A_54, %dma_wait3A_55] : memref<320x128xf32, #tpu.memory_space<vmem>> -> memref<64x128xf32, #tpu.memory_space<vmem>>
      %dma_wait3A_57 = arith.constant 0 : i32
      %dma_wait3A_58 = tpu.memref_slice %arg2[%add3A_48, %dma_wait3A_57] : memref<10000x128xf32, #tpu.memory_space<hbm>> -> memref<64x128xf32, #tpu.memory_space<hbm>>
      tpu.wait_dma2 semaphore(%arg14 : memref<!tpu.dma_semaphore, #tpu.memory_space<semaphore_mem>>) src(%dma_wait3A_58 : memref<64x128xf32, #tpu.memory_space<hbm>>) dst(%dma_wait3A_56 : memref<64x128xf32, #tpu.memory_space<vmem>>)
      %dma_start3A = arith.constant 0 : i32
      %dma_start3A_59 = arith.constant 0 : i32
      %dma_start3A_60 = tpu.memref_slice %arg5[%dma_start3A, %dma_start3A_59] : memref<320x128xf32, #tpu.memory_space<vmem>> -> memref<64x128xf32, #tpu.memory_space<vmem>>
      %dma_start3A_61 = arith.constant 0 : i32
      %dma_start3A_62 = arith.constant 0 : i32
      %dma_start3A_63 = tpu.memref_slice %arg13[%dma_start3A_61, %dma_start3A_62] : memref<16x128xf32, #tpu.memory_space<vmem_shared>> -> memref<16x128xf32, #tpu.memory_space<vmem_shared>>
      tpu.enqueue_indirect_dma source(%dma_start3A_60 : memref<64x128xf32, #tpu.memory_space<vmem>>) target(%dma_start3A_63 : memref<16x128xf32, #tpu.memory_space<vmem_shared>>) offsets(%arg6 : memref<64xi32, #tpu.memory_space<vmem>>) semaphore(%arg20 : memref<!tpu.dma_semaphore, #tpu.memory_space<semaphore_mem>>) {add = true}
      %add3A_64 = arith.constant 64 : i32
      %add3A_65 = arith.addi %mul3A_2, %add3A_64 : i32
      %dma_wait3A_66 = arith.constant 64 : i32
      %dma_wait3A_67 = arith.constant 0 : i32
      %dma_wait3A_68 = tpu.memref_slice %arg5[%dma_wait3A_66, %dma_wait3A_67] : memref<320x128xf32, #tpu.memory_space<vmem>> -> memref<64x128xf32, #tpu.memory_space<vmem>>
      %dma_wait3A_69 = arith.constant 0 : i32
      %dma_wait3A_70 = tpu.memref_slice %arg2[%add3A_65, %dma_wait3A_69] : memref<10000x128xf32, #tpu.memory_space<hbm>> -> memref<64x128xf32, #tpu.memory_space<hbm>>
      %dma_wait3A_71 = arith.constant 64 : i32
      %dma_wait3A_72 = arith.constant 0 : i32
      %dma_wait3A_73 = tpu.memref_slice %arg5[%dma_wait3A_71, %dma_wait3A_72] : memref<320x128xf32, #tpu.memory_space<vmem>> -> memref<64x128xf32, #tpu.memory_space<vmem>>
      %dma_wait3A_74 = arith.constant 0 : i32
      %dma_wait3A_75 = tpu.memref_slice %arg2[%add3A_65, %dma_wait3A_74] : memref<10000x128xf32, #tpu.memory_space<hbm>> -> memref<64x128xf32, #tpu.memory_space<hbm>>
      tpu.wait_dma2 semaphore(%arg15 : memref<!tpu.dma_semaphore, #tpu.memory_space<semaphore_mem>>) src(%dma_wait3A_75 : memref<64x128xf32, #tpu.memory_space<hbm>>) dst(%dma_wait3A_73 : memref<64x128xf32, #tpu.memory_space<vmem>>)
      %dma_start3A_76 = arith.constant 64 : i32
      %dma_start3A_77 = arith.constant 0 : i32
      %dma_start3A_78 = tpu.memref_slice %arg5[%dma_start3A_76, %dma_start3A_77] : memref<320x128xf32, #tpu.memory_space<vmem>> -> memref<64x128xf32, #tpu.memory_space<vmem>>
      %dma_start3A_79 = arith.constant 0 : i32
      %dma_start3A_80 = arith.constant 0 : i32
      %dma_start3A_81 = tpu.memref_slice %arg13[%dma_start3A_79, %dma_start3A_80] : memref<16x128xf32, #tpu.memory_space<vmem_shared>> -> memref<16x128xf32, #tpu.memory_space<vmem_shared>>
      tpu.enqueue_indirect_dma source(%dma_start3A_78 : memref<64x128xf32, #tpu.memory_space<vmem>>) target(%dma_start3A_81 : memref<16x128xf32, #tpu.memory_space<vmem_shared>>) offsets(%arg7 : memref<64xi32, #tpu.memory_space<vmem>>) semaphore(%arg20 : memref<!tpu.dma_semaphore, #tpu.memory_space<semaphore_mem>>) {add = true}
      %add3A_82 = arith.constant 128 : i32
      %add3A_83 = arith.addi %mul3A_2, %add3A_82 : i32
      %dma_wait3A_84 = arith.constant 128 : i32
      %dma_wait3A_85 = arith.constant 0 : i32
      %dma_wait3A_86 = tpu.memref_slice %arg5[%dma_wait3A_84, %dma_wait3A_85] : memref<320x128xf32, #tpu.memory_space<vmem>> -> memref<64x128xf32, #tpu.memory_space<vmem>>
      %dma_wait3A_87 = arith.constant 0 : i32
      %dma_wait3A_88 = tpu.memref_slice %arg2[%add3A_83, %dma_wait3A_87] : memref<10000x128xf32, #tpu.memory_space<hbm>> -> memref<64x128xf32, #tpu.memory_space<hbm>>
      %dma_wait3A_89 = arith.constant 128 : i32
      %dma_wait3A_90 = arith.constant 0 : i32
      %dma_wait3A_91 = tpu.memref_slice %arg5[%dma_wait3A_89, %dma_wait3A_90] : memref<320x128xf32, #tpu.memory_space<vmem>> -> memref<64x128xf32, #tpu.memory_space<vmem>>
      %dma_wait3A_92 = arith.constant 0 : i32
      %dma_wait3A_93 = tpu.memref_slice %arg2[%add3A_83, %dma_wait3A_92] : memref<10000x128xf32, #tpu.memory_space<hbm>> -> memref<64x128xf32, #tpu.memory_space<hbm>>
      tpu.wait_dma2 semaphore(%arg16 : memref<!tpu.dma_semaphore, #tpu.memory_space<semaphore_mem>>) src(%dma_wait3A_93 : memref<64x128xf32, #tpu.memory_space<hbm>>) dst(%dma_wait3A_91 : memref<64x128xf32, #tpu.memory_space<vmem>>)
      %dma_start3A_94 = arith.constant 128 : i32
      %dma_start3A_95 = arith.constant 0 : i32
      %dma_start3A_96 = tpu.memref_slice %arg5[%dma_start3A_94, %dma_start3A_95] : memref<320x128xf32, #tpu.memory_space<vmem>> -> memref<64x128xf32, #tpu.memory_space<vmem>>
      %dma_start3A_97 = arith.constant 0 : i32
      %dma_start3A_98 = arith.constant 0 : i32
      %dma_start3A_99 = tpu.memref_slice %arg13[%dma_start3A_97, %dma_start3A_98] : memref<16x128xf32, #tpu.memory_space<vmem_shared>> -> memref<16x128xf32, #tpu.memory_space<vmem_shared>>
      tpu.enqueue_indirect_dma source(%dma_start3A_96 : memref<64x128xf32, #tpu.memory_space<vmem>>) target(%dma_start3A_99 : memref<16x128xf32, #tpu.memory_space<vmem_shared>>) offsets(%arg8 : memref<64xi32, #tpu.memory_space<vmem>>) semaphore(%arg20 : memref<!tpu.dma_semaphore, #tpu.memory_space<semaphore_mem>>) {add = true}
      %add3A_100 = arith.constant 192 : i32
      %add3A_101 = arith.addi %mul3A_2, %add3A_100 : i32
      %dma_wait3A_102 = arith.constant 192 : i32
      %dma_wait3A_103 = arith.constant 0 : i32
      %dma_wait3A_104 = tpu.memref_slice %arg5[%dma_wait3A_102, %dma_wait3A_103] : memref<320x128xf32, #tpu.memory_space<vmem>> -> memref<64x128xf32, #tpu.memory_space<vmem>>
      %dma_wait3A_105 = arith.constant 0 : i32
      %dma_wait3A_106 = tpu.memref_slice %arg2[%add3A_101, %dma_wait3A_105] : memref<10000x128xf32, #tpu.memory_space<hbm>> -> memref<64x128xf32, #tpu.memory_space<hbm>>
      %dma_wait3A_107 = arith.constant 192 : i32
      %dma_wait3A_108 = arith.constant 0 : i32
      %dma_wait3A_109 = tpu.memref_slice %arg5[%dma_wait3A_107, %dma_wait3A_108] : memref<320x128xf32, #tpu.memory_space<vmem>> -> memref<64x128xf32, #tpu.memory_space<vmem>>
      %dma_wait3A_110 = arith.constant 0 : i32
      %dma_wait3A_111 = tpu.memref_slice %arg2[%add3A_101, %dma_wait3A_110] : memref<10000x128xf32, #tpu.memory_space<hbm>> -> memref<64x128xf32, #tpu.memory_space<hbm>>
      tpu.wait_dma2 semaphore(%arg17 : memref<!tpu.dma_semaphore, #tpu.memory_space<semaphore_mem>>) src(%dma_wait3A_111 : memref<64x128xf32, #tpu.memory_space<hbm>>) dst(%dma_wait3A_109 : memref<64x128xf32, #tpu.memory_space<vmem>>)
      %dma_start3A_112 = arith.constant 192 : i32
      %dma_start3A_113 = arith.constant 0 : i32
      %dma_start3A_114 = tpu.memref_slice %arg5[%dma_start3A_112, %dma_start3A_113] : memref<320x128xf32, #tpu.memory_space<vmem>> -> memref<64x128xf32, #tpu.memory_space<vmem>>
      %dma_start3A_115 = arith.constant 0 : i32
      %dma_start3A_116 = arith.constant 0 : i32
      %dma_start3A_117 = tpu.memref_slice %arg13[%dma_start3A_115, %dma_start3A_116] : memref<16x128xf32, #tpu.memory_space<vmem_shared>> -> memref<16x128xf32, #tpu.memory_space<vmem_shared>>
      tpu.enqueue_indirect_dma source(%dma_start3A_114 : memref<64x128xf32, #tpu.memory_space<vmem>>) target(%dma_start3A_117 : memref<16x128xf32, #tpu.memory_space<vmem_shared>>) offsets(%arg9 : memref<64xi32, #tpu.memory_space<vmem>>) semaphore(%arg20 : memref<!tpu.dma_semaphore, #tpu.memory_space<semaphore_mem>>) {add = true}
      %add3A_118 = arith.constant 256 : i32
      %add3A_119 = arith.addi %mul3A_2, %add3A_118 : i32
      %dma_wait3A_120 = arith.constant 256 : i32
      %dma_wait3A_121 = arith.constant 0 : i32
      %dma_wait3A_122 = tpu.memref_slice %arg5[%dma_wait3A_120, %dma_wait3A_121] : memref<320x128xf32, #tpu.memory_space<vmem>> -> memref<64x128xf32, #tpu.memory_space<vmem>>
      %dma_wait3A_123 = arith.constant 0 : i32
      %dma_wait3A_124 = tpu.memref_slice %arg2[%add3A_119, %dma_wait3A_123] : memref<10000x128xf32, #tpu.memory_space<hbm>> -> memref<64x128xf32, #tpu.memory_space<hbm>>
      %dma_wait3A_125 = arith.constant 256 : i32
      %dma_wait3A_126 = arith.constant 0 : i32
      %dma_wait3A_127 = tpu.memref_slice %arg5[%dma_wait3A_125, %dma_wait3A_126] : memref<320x128xf32, #tpu.memory_space<vmem>> -> memref<64x128xf32, #tpu.memory_space<vmem>>
      %dma_wait3A_128 = arith.constant 0 : i32
      %dma_wait3A_129 = tpu.memref_slice %arg2[%add3A_119, %dma_wait3A_128] : memref<10000x128xf32, #tpu.memory_space<hbm>> -> memref<64x128xf32, #tpu.memory_space<hbm>>
      tpu.wait_dma2 semaphore(%arg18 : memref<!tpu.dma_semaphore, #tpu.memory_space<semaphore_mem>>) src(%dma_wait3A_129 : memref<64x128xf32, #tpu.memory_space<hbm>>) dst(%dma_wait3A_127 : memref<64x128xf32, #tpu.memory_space<vmem>>)
      %dma_start3A_130 = arith.constant 256 : i32
      %dma_start3A_131 = arith.constant 0 : i32
      %dma_start3A_132 = tpu.memref_slice %arg5[%dma_start3A_130, %dma_start3A_131] : memref<320x128xf32, #tpu.memory_space<vmem>> -> memref<64x128xf32, #tpu.memory_space<vmem>>
      %dma_start3A_133 = arith.constant 0 : i32
      %dma_start3A_134 = arith.constant 0 : i32
      %dma_start3A_135 = tpu.memref_slice %arg13[%dma_start3A_133, %dma_start3A_134] : memref<16x128xf32, #tpu.memory_space<vmem_shared>> -> memref<16x128xf32, #tpu.memory_space<vmem_shared>>
      tpu.enqueue_indirect_dma source(%dma_start3A_132 : memref<64x128xf32, #tpu.memory_space<vmem>>) target(%dma_start3A_135 : memref<16x128xf32, #tpu.memory_space<vmem_shared>>) offsets(%arg10 : memref<64xi32, #tpu.memory_space<vmem>>) semaphore(%arg20 : memref<!tpu.dma_semaphore, #tpu.memory_space<semaphore_mem>>) {add = true}
      %dma_wait3A_136 = arith.constant 0 : i32
      %dma_wait3A_137 = arith.constant 0 : i32
      %dma_wait3A_138 = tpu.memref_slice %arg5[%dma_wait3A_136, %dma_wait3A_137] : memref<320x128xf32, #tpu.memory_space<vmem>> -> memref<64x128xf32, #tpu.memory_space<vmem>>
      %dma_wait3A_139 = arith.constant 0 : i32
      %dma_wait3A_140 = arith.constant 0 : i32
      %dma_wait3A_141 = tpu.memref_slice %arg13[%dma_wait3A_139, %dma_wait3A_140] : memref<16x128xf32, #tpu.memory_space<vmem_shared>> -> memref<16x128xf32, #tpu.memory_space<vmem_shared>>
      tpu.wait_indirect_dma semaphore(%arg20 : memref<!tpu.dma_semaphore, #tpu.memory_space<semaphore_mem>>) src(%dma_wait3A_138 : memref<64x128xf32, #tpu.memory_space<vmem>>) dst(%dma_wait3A_141 : memref<16x128xf32, #tpu.memory_space<vmem_shared>>)
      %dma_wait3A_142 = arith.constant 64 : i32
      %dma_wait3A_143 = arith.constant 0 : i32
      %dma_wait3A_144 = tpu.memref_slice %arg5[%dma_wait3A_142, %dma_wait3A_143] : memref<320x128xf32, #tpu.memory_space<vmem>> -> memref<64x128xf32, #tpu.memory_space<vmem>>
      %dma_wait3A_145 = arith.constant 0 : i32
      %dma_wait3A_146 = arith.constant 0 : i32
      %dma_wait3A_147 = tpu.memref_slice %arg13[%dma_wait3A_145, %dma_wait3A_146] : memref<16x128xf32, #tpu.memory_space<vmem_shared>> -> memref<16x128xf32, #tpu.memory_space<vmem_shared>>
      tpu.wait_indirect_dma semaphore(%arg20 : memref<!tpu.dma_semaphore, #tpu.memory_space<semaphore_mem>>) src(%dma_wait3A_144 : memref<64x128xf32, #tpu.memory_space<vmem>>) dst(%dma_wait3A_147 : memref<16x128xf32, #tpu.memory_space<vmem_shared>>)
      %dma_wait3A_148 = arith.constant 128 : i32
      %dma_wait3A_149 = arith.constant 0 : i32
      %dma_wait3A_150 = tpu.memref_slice %arg5[%dma_wait3A_148, %dma_wait3A_149] : memref<320x128xf32, #tpu.memory_space<vmem>> -> memref<64x128xf32, #tpu.memory_space<vmem>>
      %dma_wait3A_151 = arith.constant 0 : i32
      %dma_wait3A_152 = arith.constant 0 : i32
      %dma_wait3A_153 = tpu.memref_slice %arg13[%dma_wait3A_151, %dma_wait3A_152] : memref<16x128xf32, #tpu.memory_space<vmem_shared>> -> memref<16x128xf32, #tpu.memory_space<vmem_shared>>
      tpu.wait_indirect_dma semaphore(%arg20 : memref<!tpu.dma_semaphore, #tpu.memory_space<semaphore_mem>>) src(%dma_wait3A_150 : memref<64x128xf32, #tpu.memory_space<vmem>>) dst(%dma_wait3A_153 : memref<16x128xf32, #tpu.memory_space<vmem_shared>>)
      %dma_wait3A_154 = arith.constant 192 : i32
      %dma_wait3A_155 = arith.constant 0 : i32
      %dma_wait3A_156 = tpu.memref_slice %arg5[%dma_wait3A_154, %dma_wait3A_155] : memref<320x128xf32, #tpu.memory_space<vmem>> -> memref<64x128xf32, #tpu.memory_space<vmem>>
      %dma_wait3A_157 = arith.constant 0 : i32
      %dma_wait3A_158 = arith.constant 0 : i32
      %dma_wait3A_159 = tpu.memref_slice %arg13[%dma_wait3A_157, %dma_wait3A_158] : memref<16x128xf32, #tpu.memory_space<vmem_shared>> -> memref<16x128xf32, #tpu.memory_space<vmem_shared>>
      tpu.wait_indirect_dma semaphore(%arg20 : memref<!tpu.dma_semaphore, #tpu.memory_space<semaphore_mem>>) src(%dma_wait3A_156 : memref<64x128xf32, #tpu.memory_space<vmem>>) dst(%dma_wait3A_159 : memref<16x128xf32, #tpu.memory_space<vmem_shared>>)
      %dma_wait3A_160 = arith.constant 256 : i32
      %dma_wait3A_161 = arith.constant 0 : i32
      %dma_wait3A_162 = tpu.memref_slice %arg5[%dma_wait3A_160, %dma_wait3A_161] : memref<320x128xf32, #tpu.memory_space<vmem>> -> memref<64x128xf32, #tpu.memory_space<vmem>>
      %dma_wait3A_163 = arith.constant 0 : i32
      %dma_wait3A_164 = arith.constant 0 : i32
      %dma_wait3A_165 = tpu.memref_slice %arg13[%dma_wait3A_163, %dma_wait3A_164] : memref<16x128xf32, #tpu.memory_space<vmem_shared>> -> memref<16x128xf32, #tpu.memory_space<vmem_shared>>
      tpu.wait_indirect_dma semaphore(%arg20 : memref<!tpu.dma_semaphore, #tpu.memory_space<semaphore_mem>>) src(%dma_wait3A_162 : memref<64x128xf32, #tpu.memory_space<vmem>>) dst(%dma_wait3A_165 : memref<16x128xf32, #tpu.memory_space<vmem_shared>>)
    } else {
    }
    %convert_element_type3A_19 = arith.extui %eq3A_3 : i1 to i32
    %cond3A_20 = arith.constant 0 : i32
    %cond3A_21 = arith.cmpi ne, %convert_element_type3A_19, %cond3A_20 : i32
    scf.if %cond3A_21 {
      %dma_wait3A = arith.constant 9920 : i32
      %dma_wait3A_28 = tpu.memref_slice %arg3[%dma_wait3A] : memref<10000xi32, #tpu.memory_space<hbm>> -> memref<64xi32, #tpu.memory_space<hbm>>
      %dma_wait3A_29 = arith.constant 9920 : i32
      %dma_wait3A_30 = tpu.memref_slice %arg3[%dma_wait3A_29] : memref<10000xi32, #tpu.memory_space<hbm>> -> memref<64xi32, #tpu.memory_space<hbm>>
      tpu.wait_dma2 semaphore(%arg19 : memref<!tpu.dma_semaphore, #tpu.memory_space<semaphore_mem>>) src(%dma_wait3A_30 : memref<64xi32, #tpu.memory_space<hbm>>) dst(%arg6 : memref<64xi32, #tpu.memory_space<vmem>>)
      %dma_wait3A_31 = arith.constant 9984 : i32
      %dma_wait3A_32 = tpu.memref_slice %arg3[%dma_wait3A_31] : memref<10000xi32, #tpu.memory_space<hbm>> -> memref<16xi32, #tpu.memory_space<hbm>>
      %dma_wait3A_33 = arith.constant 9984 : i32
      %dma_wait3A_34 = tpu.memref_slice %arg3[%dma_wait3A_33] : memref<10000xi32, #tpu.memory_space<hbm>> -> memref<16xi32, #tpu.memory_space<hbm>>
      tpu.wait_dma2 semaphore(%arg19 : memref<!tpu.dma_semaphore, #tpu.memory_space<semaphore_mem>>) src(%dma_wait3A_34 : memref<16xi32, #tpu.memory_space<hbm>>) dst(%arg11 : memref<16xi32, #tpu.memory_space<vmem>>)
      %dma_wait3A_35 = arith.constant 0 : i32
      %dma_wait3A_36 = arith.constant 0 : i32
      %dma_wait3A_37 = tpu.memref_slice %arg5[%dma_wait3A_35, %dma_wait3A_36] : memref<320x128xf32, #tpu.memory_space<vmem>> -> memref<64x128xf32, #tpu.memory_space<vmem>>
      %dma_wait3A_38 = arith.constant 9920 : i32
      %dma_wait3A_39 = arith.constant 0 : i32
      %dma_wait3A_40 = tpu.memref_slice %arg2[%dma_wait3A_38, %dma_wait3A_39] : memref<10000x128xf32, #tpu.memory_space<hbm>> -> memref<64x128xf32, #tpu.memory_space<hbm>>
      %dma_wait3A_41 = arith.constant 0 : i32
      %dma_wait3A_42 = arith.constant 0 : i32
      %dma_wait3A_43 = tpu.memref_slice %arg5[%dma_wait3A_41, %dma_wait3A_42] : memref<320x128xf32, #tpu.memory_space<vmem>> -> memref<64x128xf32, #tpu.memory_space<vmem>>
      %dma_wait3A_44 = arith.constant 9920 : i32
      %dma_wait3A_45 = arith.constant 0 : i32
      %dma_wait3A_46 = tpu.memref_slice %arg2[%dma_wait3A_44, %dma_wait3A_45] : memref<10000x128xf32, #tpu.memory_space<hbm>> -> memref<64x128xf32, #tpu.memory_space<hbm>>
      tpu.wait_dma2 semaphore(%arg14 : memref<!tpu.dma_semaphore, #tpu.memory_space<semaphore_mem>>) src(%dma_wait3A_46 : memref<64x128xf32, #tpu.memory_space<hbm>>) dst(%dma_wait3A_43 : memref<64x128xf32, #tpu.memory_space<vmem>>)
      %dma_start3A = arith.constant 0 : i32
      %dma_start3A_47 = arith.constant 0 : i32
      %dma_start3A_48 = tpu.memref_slice %arg5[%dma_start3A, %dma_start3A_47] : memref<320x128xf32, #tpu.memory_space<vmem>> -> memref<64x128xf32, #tpu.memory_space<vmem>>
      %dma_start3A_49 = arith.constant 0 : i32
      %dma_start3A_50 = arith.constant 0 : i32
      %dma_start3A_51 = tpu.memref_slice %arg13[%dma_start3A_49, %dma_start3A_50] : memref<16x128xf32, #tpu.memory_space<vmem_shared>> -> memref<16x128xf32, #tpu.memory_space<vmem_shared>>
      tpu.enqueue_indirect_dma source(%dma_start3A_48 : memref<64x128xf32, #tpu.memory_space<vmem>>) target(%dma_start3A_51 : memref<16x128xf32, #tpu.memory_space<vmem_shared>>) offsets(%arg6 : memref<64xi32, #tpu.memory_space<vmem>>) semaphore(%arg20 : memref<!tpu.dma_semaphore, #tpu.memory_space<semaphore_mem>>) {add = true}
      %dma_wait3A_52 = arith.constant 64 : i32
      %dma_wait3A_53 = arith.constant 0 : i32
      %dma_wait3A_54 = tpu.memref_slice %arg5[%dma_wait3A_52, %dma_wait3A_53] : memref<320x128xf32, #tpu.memory_space<vmem>> -> memref<16x128xf32, #tpu.memory_space<vmem>>
      %dma_wait3A_55 = arith.constant 9984 : i32
      %dma_wait3A_56 = arith.constant 0 : i32
      %dma_wait3A_57 = tpu.memref_slice %arg2[%dma_wait3A_55, %dma_wait3A_56] : memref<10000x128xf32, #tpu.memory_space<hbm>> -> memref<16x128xf32, #tpu.memory_space<hbm>>
      %dma_wait3A_58 = arith.constant 64 : i32
      %dma_wait3A_59 = arith.constant 0 : i32
      %dma_wait3A_60 = tpu.memref_slice %arg5[%dma_wait3A_58, %dma_wait3A_59] : memref<320x128xf32, #tpu.memory_space<vmem>> -> memref<16x128xf32, #tpu.memory_space<vmem>>
      %dma_wait3A_61 = arith.constant 9984 : i32
      %dma_wait3A_62 = arith.constant 0 : i32
      %dma_wait3A_63 = tpu.memref_slice %arg2[%dma_wait3A_61, %dma_wait3A_62] : memref<10000x128xf32, #tpu.memory_space<hbm>> -> memref<16x128xf32, #tpu.memory_space<hbm>>
      tpu.wait_dma2 semaphore(%arg15 : memref<!tpu.dma_semaphore, #tpu.memory_space<semaphore_mem>>) src(%dma_wait3A_63 : memref<16x128xf32, #tpu.memory_space<hbm>>) dst(%dma_wait3A_60 : memref<16x128xf32, #tpu.memory_space<vmem>>)
      %dma_start3A_64 = arith.constant 64 : i32
      %dma_start3A_65 = arith.constant 0 : i32
      %dma_start3A_66 = tpu.memref_slice %arg5[%dma_start3A_64, %dma_start3A_65] : memref<320x128xf32, #tpu.memory_space<vmem>> -> memref<16x128xf32, #tpu.memory_space<vmem>>
      %dma_start3A_67 = arith.constant 0 : i32
      %dma_start3A_68 = arith.constant 0 : i32
      %dma_start3A_69 = tpu.memref_slice %arg13[%dma_start3A_67, %dma_start3A_68] : memref<16x128xf32, #tpu.memory_space<vmem_shared>> -> memref<16x128xf32, #tpu.memory_space<vmem_shared>>
      tpu.enqueue_indirect_dma source(%dma_start3A_66 : memref<16x128xf32, #tpu.memory_space<vmem>>) target(%dma_start3A_69 : memref<16x128xf32, #tpu.memory_space<vmem_shared>>) offsets(%arg11 : memref<16xi32, #tpu.memory_space<vmem>>) semaphore(%arg20 : memref<!tpu.dma_semaphore, #tpu.memory_space<semaphore_mem>>) {add = true}
      %dma_wait3A_70 = arith.constant 0 : i32
      %dma_wait3A_71 = arith.constant 0 : i32
      %dma_wait3A_72 = tpu.memref_slice %arg5[%dma_wait3A_70, %dma_wait3A_71] : memref<320x128xf32, #tpu.memory_space<vmem>> -> memref<64x128xf32, #tpu.memory_space<vmem>>
      %dma_wait3A_73 = arith.constant 0 : i32
      %dma_wait3A_74 = arith.constant 0 : i32
      %dma_wait3A_75 = tpu.memref_slice %arg13[%dma_wait3A_73, %dma_wait3A_74] : memref<16x128xf32, #tpu.memory_space<vmem_shared>> -> memref<16x128xf32, #tpu.memory_space<vmem_shared>>
      tpu.wait_indirect_dma semaphore(%arg20 : memref<!tpu.dma_semaphore, #tpu.memory_space<semaphore_mem>>) src(%dma_wait3A_72 : memref<64x128xf32, #tpu.memory_space<vmem>>) dst(%dma_wait3A_75 : memref<16x128xf32, #tpu.memory_space<vmem_shared>>)
      %dma_wait3A_76 = arith.constant 64 : i32
      %dma_wait3A_77 = arith.constant 0 : i32
      %dma_wait3A_78 = tpu.memref_slice %arg5[%dma_wait3A_76, %dma_wait3A_77] : memref<320x128xf32, #tpu.memory_space<vmem>> -> memref<16x128xf32, #tpu.memory_space<vmem>>
      %dma_wait3A_79 = arith.constant 0 : i32
      %dma_wait3A_80 = arith.constant 0 : i32
      %dma_wait3A_81 = tpu.memref_slice %arg13[%dma_wait3A_79, %dma_wait3A_80] : memref<16x128xf32, #tpu.memory_space<vmem_shared>> -> memref<16x128xf32, #tpu.memory_space<vmem_shared>>
      tpu.wait_indirect_dma semaphore(%arg20 : memref<!tpu.dma_semaphore, #tpu.memory_space<semaphore_mem>>) src(%dma_wait3A_78 : memref<16x128xf32, #tpu.memory_space<vmem>>) dst(%dma_wait3A_81 : memref<16x128xf32, #tpu.memory_space<vmem_shared>>)
    } else {
    }
    %barrier3A_22 = arith.constant 0 : index
    tpu.barrier barrier_id(%barrier3A_22)
    %eq3A_23 = arith.constant 0 : i32
    %eq3A_24 = arith.cmpi eq, %arg1, %eq3A_23 : i32
    %convert_element_type3A_25 = arith.extui %eq3A_24 : i1 to i32
    %cond3A_26 = arith.constant 0 : i32
    %cond3A_27 = arith.cmpi ne, %convert_element_type3A_25, %cond3A_26 : i32
    scf.if %cond3A_27 {
      "tpu.region"() ({
        %run_scoped3A = tpu.sem_alloc : memref<!tpu.dma_semaphore, #tpu.memory_space<semaphore_mem>>
        tpu.enqueue_dma source(%arg13 : memref<16x128xf32, #tpu.memory_space<vmem_shared>>) target(%arg12 : memref<16x128xf32, #tpu.memory_space<vmem>>) target_semaphore(%run_scoped3A : memref<!tpu.dma_semaphore, #tpu.memory_space<semaphore_mem>>)
        tpu.wait_dma2 semaphore(%run_scoped3A : memref<!tpu.dma_semaphore, #tpu.memory_space<semaphore_mem>>) src(%arg13 : memref<16x128xf32, #tpu.memory_space<vmem_shared>>) dst(%arg12 : memref<16x128xf32, #tpu.memory_space<vmem>>)
        tpu.yield
      }) : () -> ()
      "tpu.region"() ({
        %run_scoped3A = tpu.sem_alloc : memref<!tpu.dma_semaphore, #tpu.memory_space<semaphore_mem>>
        %dma_start3A = arith.constant 0 : i32
        %dma_start3A_28 = arith.constant 0 : i32
        %dma_start3A_29 = tpu.memref_slice %arg4[%arg0, %dma_start3A, %dma_start3A_28] : memref<2x16x128xf32, #tpu.memory_space<hbm>> -> memref<1x16x128xf32, #tpu.memory_space<hbm>>
        %dma_start3A_30 = tpu.memref_squeeze %dma_start3A_29 : memref<1x16x128xf32, #tpu.memory_space<hbm>> -> memref<16x128xf32, #tpu.memory_space<hbm>>
        %dma_start3A_31 = arith.constant 0 : i32
        %dma_start3A_32 = arith.constant 0 : i32
        %dma_start3A_33 = tpu.memref_slice %arg4[%arg0, %dma_start3A_31, %dma_start3A_32] : memref<2x16x128xf32, #tpu.memory_space<hbm>> -> memref<1x16x128xf32, #tpu.memory_space<hbm>>
        %dma_start3A_34 = tpu.memref_squeeze %dma_start3A_33 : memref<1x16x128xf32, #tpu.memory_space<hbm>> -> memref<16x128xf32, #tpu.memory_space<hbm>>
        tpu.enqueue_dma source(%arg12 : memref<16x128xf32, #tpu.memory_space<vmem>>) target(%dma_start3A_34 : memref<16x128xf32, #tpu.memory_space<hbm>>) target_semaphore(%run_scoped3A : memref<!tpu.dma_semaphore, #tpu.memory_space<semaphore_mem>>)
        %dma_wait3A = arith.constant 0 : i32
        %dma_wait3A_35 = arith.constant 0 : i32
        %dma_wait3A_36 = tpu.memref_slice %arg4[%arg0, %dma_wait3A, %dma_wait3A_35] : memref<2x16x128xf32, #tpu.memory_space<hbm>> -> memref<1x16x128xf32, #tpu.memory_space<hbm>>
        %dma_wait3A_37 = tpu.memref_squeeze %dma_wait3A_36 : memref<1x16x128xf32, #tpu.memory_space<hbm>> -> memref<16x128xf32, #tpu.memory_space<hbm>>
        %dma_wait3A_38 = arith.constant 0 : i32
        %dma_wait3A_39 = arith.constant 0 : i32
        %dma_wait3A_40 = tpu.memref_slice %arg4[%arg0, %dma_wait3A_38, %dma_wait3A_39] : memref<2x16x128xf32, #tpu.memory_space<hbm>> -> memref<1x16x128xf32, #tpu.memory_space<hbm>>
        %dma_wait3A_41 = tpu.memref_squeeze %dma_wait3A_40 : memref<1x16x128xf32, #tpu.memory_space<hbm>> -> memref<16x128xf32, #tpu.memory_space<hbm>>
        tpu.wait_dma2 semaphore(%run_scoped3A : memref<!tpu.dma_semaphore, #tpu.memory_space<semaphore_mem>>) src(%arg12 : memref<16x128xf32, #tpu.memory_space<vmem>>) dst(%dma_wait3A_41 : memref<16x128xf32, #tpu.memory_space<hbm>>)
        tpu.yield
      }) : () -> ()
    } else {
    }
    return
  }
}

module attributes {stable_mosaic.version = 14 : i64} {
  func.func @_tc_finish(%arg0: memref<2x16x128xf32, #tpu.memory_space<vmem>>, %arg1: memref<16x128xf32, #tpu.memory_space<vmem>>, %arg2: memref<7x128xf32, #tpu.memory_space<vmem>>, %arg3: memref<7x1xf32, #tpu.memory_space<vmem>>, %arg4: memref<7x16xf32, #tpu.memory_space<vmem>>) attributes {dimension_semantics = [], scalar_prefetch = 0 : i64, scratch_operands = 0 : i64, tpu.core_type = #tpu.core_type<tc>} {
    %get3A = arith.constant 0 : index
    %get3A_0 = arith.constant 0 : index
    %get3A_1 = arith.constant 0 : index
    %get3A_2 = vector.load %arg0[%get3A, %get3A_0, %get3A_1] : memref<2x16x128xf32, #tpu.memory_space<vmem>>, vector<1x16x128xf32>
    %get3A_3 = vector.shape_cast %get3A_2 : vector<1x16x128xf32> to vector<16x128xf32>
    %get3A_4 = arith.constant 1 : index
    %get3A_5 = arith.constant 0 : index
    %get3A_6 = arith.constant 0 : index
    %get3A_7 = vector.load %arg0[%get3A_4, %get3A_5, %get3A_6] : memref<2x16x128xf32, #tpu.memory_space<vmem>>, vector<1x16x128xf32>
    %get3A_8 = vector.shape_cast %get3A_7 : vector<1x16x128xf32> to vector<16x128xf32>
    %add3A = arith.addf %get3A_3, %get3A_8 : vector<16x128xf32>
    %get3A_9 = arith.constant 0 : index
    %get3A_10 = arith.constant 0 : index
    %get3A_11 = vector.load %arg1[%get3A_9, %get3A_10] : memref<16x128xf32, #tpu.memory_space<vmem>>, vector<16x128xf32>
    %mul3A = arith.mulf %add3A, %get3A_11 : vector<16x128xf32>
    %get3A_12 = arith.constant 0 : index
    %get3A_13 = arith.constant 0 : index
    %get3A_14 = vector.load %arg2[%get3A_12, %get3A_13] : memref<7x128xf32, #tpu.memory_space<vmem>>, vector<7x128xf32>
    %dot_general3A = arith.constant dense<0.000000e+00> : vector<7x16xf32>
    %dot_general3A_15 = tpu.matmul %get3A_14, %mul3A, %dot_general3A {dimension_numbers = #tpu.dot_dimension_numbers<[1], [1], [0], [0], [0, 0, 1, 0], [], []>, transpose_lhs_hint = false} : vector<7x128xf32>, vector<16x128xf32>, vector<7x16xf32> -> vector<7x16xf32>
    %get3A_16 = arith.constant 0 : index
    %get3A_17 = arith.constant 0 : index
    %get3A_18 = vector.load %arg3[%get3A_16, %get3A_17] : memref<7x1xf32, #tpu.memory_space<vmem>>, vector<7x1xf32>
    %add3A_19 = vector.broadcast %get3A_18 : vector<7x1xf32> to vector<7x16xf32>
    %add3A_20 = arith.addf %dot_general3A_15, %add3A_19 : vector<7x16xf32>
    %swap3A = arith.constant 0 : index
    %swap3A_21 = arith.constant 0 : index
    %swap3A_22 = vector.load %arg4[%swap3A, %swap3A_21] : memref<7x16xf32, #tpu.memory_space<vmem>>, vector<7x16xf32>
    tpu.vector_store %arg4[%swap3A, %swap3A_21], %add3A_20 {strides = array<i32>} : memref<7x16xf32, #tpu.memory_space<vmem>>, vector<7x16xf32>,
    return
  }
}

module attributes {stable_mosaic.version = 14 : i64} {
  func.func @_tc_counts(%arg0: memref<10x1x1000xi32, #tpu.memory_space<vmem>>, %arg1: memref<16x128xf32, #tpu.memory_space<vmem>>) attributes {dimension_semantics = [], scalar_prefetch = 0 : i64, scratch_operands = 0 : i64, tpu.core_type = #tpu.core_type<tc>} {
    %broadcast_in_dim3A = arith.constant 0.000000e+00 : f32
    %broadcast_in_dim3A_0 = vector.broadcast %broadcast_in_dim3A : f32 to vector<16x1xf32>
    %iota3A = tpu.iota {dimensions = array<i32: 0>} : vector<16x1000xi32>
    %get3A = arith.constant 0 : index
    %get3A_1 = arith.constant 0 : index
    %get3A_2 = arith.constant 0 : index
    %get3A_3 = vector.load %arg0[%get3A, %get3A_1, %get3A_2] : memref<10x1x1000xi32, #tpu.memory_space<vmem>>, vector<1x1x1000xi32>
    %get3A_4 = vector.shape_cast %get3A_3 : vector<1x1x1000xi32> to vector<1x1000xi32>
    %eq3A = vector.broadcast %get3A_4 : vector<1x1000xi32> to vector<16x1000xi32>
    %eq3A_5 = arith.cmpi eq, %iota3A, %eq3A : vector<16x1000xi32>
    %convert_element_type3A = arith.extui %eq3A_5 : vector<16x1000xi1> to vector<16x1000xi32>
    %convert_element_type3A_6 = arith.sitofp %convert_element_type3A : vector<16x1000xi32> to vector<16x1000xf32>
    %reduce_sum3A = arith.constant dense<0.000000e+00> : vector<16xf32>
    %reduce_sum3A_7 = vector.multi_reduction <add>, %convert_element_type3A_6, %reduce_sum3A [1] : vector<16x1000xf32> to vector<16xf32>
    %broadcast_in_dim3A_8 = vector.shape_cast %reduce_sum3A_7 : vector<16xf32> to vector<16x1xf32>
    %add3A = arith.addf %broadcast_in_dim3A_0, %broadcast_in_dim3A_8 : vector<16x1xf32>
    %get3A_9 = arith.constant 1 : index
    %get3A_10 = arith.constant 0 : index
    %get3A_11 = arith.constant 0 : index
    %get3A_12 = vector.load %arg0[%get3A_9, %get3A_10, %get3A_11] : memref<10x1x1000xi32, #tpu.memory_space<vmem>>, vector<1x1x1000xi32>
    %get3A_13 = vector.shape_cast %get3A_12 : vector<1x1x1000xi32> to vector<1x1000xi32>
    %eq3A_14 = vector.broadcast %get3A_13 : vector<1x1000xi32> to vector<16x1000xi32>
    %eq3A_15 = arith.cmpi eq, %iota3A, %eq3A_14 : vector<16x1000xi32>
    %convert_element_type3A_16 = arith.extui %eq3A_15 : vector<16x1000xi1> to vector<16x1000xi32>
    %convert_element_type3A_17 = arith.sitofp %convert_element_type3A_16 : vector<16x1000xi32> to vector<16x1000xf32>
    %reduce_sum3A_18 = arith.constant dense<0.000000e+00> : vector<16xf32>
    %reduce_sum3A_19 = vector.multi_reduction <add>, %convert_element_type3A_17, %reduce_sum3A_18 [1] : vector<16x1000xf32> to vector<16xf32>
    %broadcast_in_dim3A_20 = vector.shape_cast %reduce_sum3A_19 : vector<16xf32> to vector<16x1xf32>
    %add3A_21 = arith.addf %add3A, %broadcast_in_dim3A_20 : vector<16x1xf32>
    %get3A_22 = arith.constant 2 : index
    %get3A_23 = arith.constant 0 : index
    %get3A_24 = arith.constant 0 : index
    %get3A_25 = vector.load %arg0[%get3A_22, %get3A_23, %get3A_24] : memref<10x1x1000xi32, #tpu.memory_space<vmem>>, vector<1x1x1000xi32>
    %get3A_26 = vector.shape_cast %get3A_25 : vector<1x1x1000xi32> to vector<1x1000xi32>
    %eq3A_27 = vector.broadcast %get3A_26 : vector<1x1000xi32> to vector<16x1000xi32>
    %eq3A_28 = arith.cmpi eq, %iota3A, %eq3A_27 : vector<16x1000xi32>
    %convert_element_type3A_29 = arith.extui %eq3A_28 : vector<16x1000xi1> to vector<16x1000xi32>
    %convert_element_type3A_30 = arith.sitofp %convert_element_type3A_29 : vector<16x1000xi32> to vector<16x1000xf32>
    %reduce_sum3A_31 = arith.constant dense<0.000000e+00> : vector<16xf32>
    %reduce_sum3A_32 = vector.multi_reduction <add>, %convert_element_type3A_30, %reduce_sum3A_31 [1] : vector<16x1000xf32> to vector<16xf32>
    %broadcast_in_dim3A_33 = vector.shape_cast %reduce_sum3A_32 : vector<16xf32> to vector<16x1xf32>
    %add3A_34 = arith.addf %add3A_21, %broadcast_in_dim3A_33 : vector<16x1xf32>
    %get3A_35 = arith.constant 3 : index
    %get3A_36 = arith.constant 0 : index
    %get3A_37 = arith.constant 0 : index
    %get3A_38 = vector.load %arg0[%get3A_35, %get3A_36, %get3A_37] : memref<10x1x1000xi32, #tpu.memory_space<vmem>>, vector<1x1x1000xi32>
    %get3A_39 = vector.shape_cast %get3A_38 : vector<1x1x1000xi32> to vector<1x1000xi32>
    %eq3A_40 = vector.broadcast %get3A_39 : vector<1x1000xi32> to vector<16x1000xi32>
    %eq3A_41 = arith.cmpi eq, %iota3A, %eq3A_40 : vector<16x1000xi32>
    %convert_element_type3A_42 = arith.extui %eq3A_41 : vector<16x1000xi1> to vector<16x1000xi32>
    %convert_element_type3A_43 = arith.sitofp %convert_element_type3A_42 : vector<16x1000xi32> to vector<16x1000xf32>
    %reduce_sum3A_44 = arith.constant dense<0.000000e+00> : vector<16xf32>
    %reduce_sum3A_45 = vector.multi_reduction <add>, %convert_element_type3A_43, %reduce_sum3A_44 [1] : vector<16x1000xf32> to vector<16xf32>
    %broadcast_in_dim3A_46 = vector.shape_cast %reduce_sum3A_45 : vector<16xf32> to vector<16x1xf32>
    %add3A_47 = arith.addf %add3A_34, %broadcast_in_dim3A_46 : vector<16x1xf32>
    %get3A_48 = arith.constant 4 : index
    %get3A_49 = arith.constant 0 : index
    %get3A_50 = arith.constant 0 : index
    %get3A_51 = vector.load %arg0[%get3A_48, %get3A_49, %get3A_50] : memref<10x1x1000xi32, #tpu.memory_space<vmem>>, vector<1x1x1000xi32>
    %get3A_52 = vector.shape_cast %get3A_51 : vector<1x1x1000xi32> to vector<1x1000xi32>
    %eq3A_53 = vector.broadcast %get3A_52 : vector<1x1000xi32> to vector<16x1000xi32>
    %eq3A_54 = arith.cmpi eq, %iota3A, %eq3A_53 : vector<16x1000xi32>
    %convert_element_type3A_55 = arith.extui %eq3A_54 : vector<16x1000xi1> to vector<16x1000xi32>
    %convert_element_type3A_56 = arith.sitofp %convert_element_type3A_55 : vector<16x1000xi32> to vector<16x1000xf32>
    %reduce_sum3A_57 = arith.constant dense<0.000000e+00> : vector<16xf32>
    %reduce_sum3A_58 = vector.multi_reduction <add>, %convert_element_type3A_56, %reduce_sum3A_57 [1] : vector<16x1000xf32> to vector<16xf32>
    %broadcast_in_dim3A_59 = vector.shape_cast %reduce_sum3A_58 : vector<16xf32> to vector<16x1xf32>
    %add3A_60 = arith.addf %add3A_47, %broadcast_in_dim3A_59 : vector<16x1xf32>
    %get3A_61 = arith.constant 5 : index
    %get3A_62 = arith.constant 0 : index
    %get3A_63 = arith.constant 0 : index
    %get3A_64 = vector.load %arg0[%get3A_61, %get3A_62, %get3A_63] : memref<10x1x1000xi32, #tpu.memory_space<vmem>>, vector<1x1x1000xi32>
    %get3A_65 = vector.shape_cast %get3A_64 : vector<1x1x1000xi32> to vector<1x1000xi32>
    %eq3A_66 = vector.broadcast %get3A_65 : vector<1x1000xi32> to vector<16x1000xi32>
    %eq3A_67 = arith.cmpi eq, %iota3A, %eq3A_66 : vector<16x1000xi32>
    %convert_element_type3A_68 = arith.extui %eq3A_67 : vector<16x1000xi1> to vector<16x1000xi32>
    %convert_element_type3A_69 = arith.sitofp %convert_element_type3A_68 : vector<16x1000xi32> to vector<16x1000xf32>
    %reduce_sum3A_70 = arith.constant dense<0.000000e+00> : vector<16xf32>
    %reduce_sum3A_71 = vector.multi_reduction <add>, %convert_element_type3A_69, %reduce_sum3A_70 [1] : vector<16x1000xf32> to vector<16xf32>
    %broadcast_in_dim3A_72 = vector.shape_cast %reduce_sum3A_71 : vector<16xf32> to vector<16x1xf32>
    %add3A_73 = arith.addf %add3A_60, %broadcast_in_dim3A_72 : vector<16x1xf32>
    %get3A_74 = arith.constant 6 : index
    %get3A_75 = arith.constant 0 : index
    %get3A_76 = arith.constant 0 : index
    %get3A_77 = vector.load %arg0[%get3A_74, %get3A_75, %get3A_76] : memref<10x1x1000xi32, #tpu.memory_space<vmem>>, vector<1x1x1000xi32>
    %get3A_78 = vector.shape_cast %get3A_77 : vector<1x1x1000xi32> to vector<1x1000xi32>
    %eq3A_79 = vector.broadcast %get3A_78 : vector<1x1000xi32> to vector<16x1000xi32>
    %eq3A_80 = arith.cmpi eq, %iota3A, %eq3A_79 : vector<16x1000xi32>
    %convert_element_type3A_81 = arith.extui %eq3A_80 : vector<16x1000xi1> to vector<16x1000xi32>
    %convert_element_type3A_82 = arith.sitofp %convert_element_type3A_81 : vector<16x1000xi32> to vector<16x1000xf32>
    %reduce_sum3A_83 = arith.constant dense<0.000000e+00> : vector<16xf32>
    %reduce_sum3A_84 = vector.multi_reduction <add>, %convert_element_type3A_82, %reduce_sum3A_83 [1] : vector<16x1000xf32> to vector<16xf32>
    %broadcast_in_dim3A_85 = vector.shape_cast %reduce_sum3A_84 : vector<16xf32> to vector<16x1xf32>
    %add3A_86 = arith.addf %add3A_73, %broadcast_in_dim3A_85 : vector<16x1xf32>
    %get3A_87 = arith.constant 7 : index
    %get3A_88 = arith.constant 0 : index
    %get3A_89 = arith.constant 0 : index
    %get3A_90 = vector.load %arg0[%get3A_87, %get3A_88, %get3A_89] : memref<10x1x1000xi32, #tpu.memory_space<vmem>>, vector<1x1x1000xi32>
    %get3A_91 = vector.shape_cast %get3A_90 : vector<1x1x1000xi32> to vector<1x1000xi32>
    %eq3A_92 = vector.broadcast %get3A_91 : vector<1x1000xi32> to vector<16x1000xi32>
    %eq3A_93 = arith.cmpi eq, %iota3A, %eq3A_92 : vector<16x1000xi32>
    %convert_element_type3A_94 = arith.extui %eq3A_93 : vector<16x1000xi1> to vector<16x1000xi32>
    %convert_element_type3A_95 = arith.sitofp %convert_element_type3A_94 : vector<16x1000xi32> to vector<16x1000xf32>
    %reduce_sum3A_96 = arith.constant dense<0.000000e+00> : vector<16xf32>
    %reduce_sum3A_97 = vector.multi_reduction <add>, %convert_element_type3A_95, %reduce_sum3A_96 [1] : vector<16x1000xf32> to vector<16xf32>
    %broadcast_in_dim3A_98 = vector.shape_cast %reduce_sum3A_97 : vector<16xf32> to vector<16x1xf32>
    %add3A_99 = arith.addf %add3A_86, %broadcast_in_dim3A_98 : vector<16x1xf32>
    %get3A_100 = arith.constant 8 : index
    %get3A_101 = arith.constant 0 : index
    %get3A_102 = arith.constant 0 : index
    %get3A_103 = vector.load %arg0[%get3A_100, %get3A_101, %get3A_102] : memref<10x1x1000xi32, #tpu.memory_space<vmem>>, vector<1x1x1000xi32>
    %get3A_104 = vector.shape_cast %get3A_103 : vector<1x1x1000xi32> to vector<1x1000xi32>
    %eq3A_105 = vector.broadcast %get3A_104 : vector<1x1000xi32> to vector<16x1000xi32>
    %eq3A_106 = arith.cmpi eq, %iota3A, %eq3A_105 : vector<16x1000xi32>
    %convert_element_type3A_107 = arith.extui %eq3A_106 : vector<16x1000xi1> to vector<16x1000xi32>
    %convert_element_type3A_108 = arith.sitofp %convert_element_type3A_107 : vector<16x1000xi32> to vector<16x1000xf32>
    %reduce_sum3A_109 = arith.constant dense<0.000000e+00> : vector<16xf32>
    %reduce_sum3A_110 = vector.multi_reduction <add>, %convert_element_type3A_108, %reduce_sum3A_109 [1] : vector<16x1000xf32> to vector<16xf32>
    %broadcast_in_dim3A_111 = vector.shape_cast %reduce_sum3A_110 : vector<16xf32> to vector<16x1xf32>
    %add3A_112 = arith.addf %add3A_99, %broadcast_in_dim3A_111 : vector<16x1xf32>
    %get3A_113 = arith.constant 9 : index
    %get3A_114 = arith.constant 0 : index
    %get3A_115 = arith.constant 0 : index
    %get3A_116 = vector.load %arg0[%get3A_113, %get3A_114, %get3A_115] : memref<10x1x1000xi32, #tpu.memory_space<vmem>>, vector<1x1x1000xi32>
    %get3A_117 = vector.shape_cast %get3A_116 : vector<1x1x1000xi32> to vector<1x1000xi32>
    %eq3A_118 = vector.broadcast %get3A_117 : vector<1x1000xi32> to vector<16x1000xi32>
    %eq3A_119 = arith.cmpi eq, %iota3A, %eq3A_118 : vector<16x1000xi32>
    %convert_element_type3A_120 = arith.extui %eq3A_119 : vector<16x1000xi1> to vector<16x1000xi32>
    %convert_element_type3A_121 = arith.sitofp %convert_element_type3A_120 : vector<16x1000xi32> to vector<16x1000xf32>
    %reduce_sum3A_122 = arith.constant dense<0.000000e+00> : vector<16xf32>
    %reduce_sum3A_123 = vector.multi_reduction <add>, %convert_element_type3A_121, %reduce_sum3A_122 [1] : vector<16x1000xf32> to vector<16xf32>
    %broadcast_in_dim3A_124 = vector.shape_cast %reduce_sum3A_123 : vector<16xf32> to vector<16x1xf32>
    %add3A_125 = arith.addf %add3A_112, %broadcast_in_dim3A_124 : vector<16x1xf32>
    %max3A = arith.constant 1.000000e+00 : f32
    %max3A_126 = vector.broadcast %max3A : f32 to vector<16x1xf32>
    %max3A_127 = arith.maximumf %add3A_125, %max3A_126 : vector<16x1xf32>
    %div3A = arith.constant 1.000000e+00 : f32
    %div3A_128 = vector.broadcast %div3A : f32 to vector<16x1xf32>
    %div3A_129 = arith.divf %div3A_128, %max3A_127 : vector<16x1xf32>
    %broadcast_in_dim3A_130 = vector.shape_cast %div3A_129 : vector<16x1xf32> to vector<16x1xf32>
    %broadcast_in_dim3A_131 = vector.broadcast %broadcast_in_dim3A_130 : vector<16x1xf32> to vector<16x128xf32>
    %swap3A = arith.constant 0 : index
    %swap3A_132 = arith.constant 0 : index
    %swap3A_133 = vector.load %arg1[%swap3A, %swap3A_132] : memref<16x128xf32, #tpu.memory_space<vmem>>, vector<16x128xf32>
    tpu.vector_store %arg1[%swap3A, %swap3A_132], %broadcast_in_dim3A_131 {strides = array<i32>} : memref<16x128xf32, #tpu.memory_space<vmem>>, vector<16x128xf32>,
    return
  }
}

</mosaic_0001>

<sc_bundles>
// kernel: kernel.5.cloned.1.call-start
scs
__scs_entry_jumppad:
0x0: {  	(pc) =	sbr.rel $0x88, $3  }
0x1: {  	(tag) =	ssettag $0x0;
	lr =	simm.s32 $0x1  }
0x2: {  	[smem:$0x3F9D] =	sst lr;
	_ =	strace $0xD0000000  }
0x3: {  	_ = 	snop  }
0x4: {  	_ = 	snop  }
0x5: {  	_ = 	snop  }
0x6: {  	_ = 	snop  }
0x7: {  	_ = 	snop  }
__scs_overlays_trampoline_lowered:
0x8: {  	[smem:$0x3FAC] =	sst s0  }
0x9: {  	[smem:$0x3FAD] =	sst s1  }
0xa: {  	[smem:$0x3FAE] =	sst s2  }
0xb: {  	[smem:$0x3FAF] =	sst s3  }
0xc: {  	[smem:$0x3FB0] =	sst s4  }
0xd: {  	[smem:$0x3FB1] =	sst s5  }
0xe: {  	[smem:$0x3FB2] =	sst s6  }
0xf: {  	[smem:$0x3FB3] =	sst s7  }
0x10: {  	[smem:$0x3FB4] =	sst s8  }
0x11: {  	[smem:$0x3FB5] =	sst s9;
	s0 =	simm.s32 @!p0 $0x0  }
0x12: {  	s1 =	sld [smem:$0x3F9B];
	s0 =	simm.s32 @p0 $0x1  }
0x13: {  	[smem:$0x3FB6] =	sst s0;
	s0 =	simm.s32 @!p1 $0x0  }
0x14: {  	s2 =	sld [smem:$0x3F9A];
	s0 =	simm.s32 @p1 $0x1  }
0x15: {  	[smem:$0x3FB7] =	sst s0;
	s0 =	simm.s32 @!p2 $0x0  }
0x16: {  	s3 =	sld [smem:$0x3FDB];
	s0 =	simm.s32 @p2 $0x1  }
0x17: {  	s4 =	simm.s32 $0x1BF5;
	[smem:$0x3FB9] =	sst s0  }
0x18: {  	s0 =	sld [smem:$0x3F9C];
	_ =	swait.ge [sflag:s4], $0x0  }
0x19: {  	s7 =	sld [smem:$0x3F9D]  }
0x1a: {  	s8 =	sadd.s32 $0xFFFFE003, lr  }
0x1b: {  	s9 =	sadd.s32 $0xFFFFFEF7, lr;
	s5 =	simm.s32 $0xFFFFFFFF;
	p2 =	slt.u32 s8, $0xFFFFF086  }
0x1c: {  	p1 =	slt.u32 s9, $0xF7A;
	s5 =	simm.s32 @!p2 $0x0  }
0x1d: {  	s5 =	simm.s32 @p1 $0x1;
	p0 =	seq.s32 s7, s2  }
0x1e: {  	s7 =	smul.u32 @!p0 $0xF7A, s2;
	p2 =	seq.s32 @!p0 s5, $0x0  }
0x1f: {  	s9 =	smul.u32 $0xF7A, s1;
	s8 =	simm.s32 @!p0 $0x1BF5;
	p2 =	por !p2, p0  }
0x20: {  	[sflag:s8] =	ssyncset.s32 @!p0 $0xFFFFF086;
	s6 =	sadd.s32 @!p0 s3, s7;
	s7 =	simm.s32 @!p0 $0x108  }
0x21: {  	s3 =	sadd.s32 s3, s9;
	s6 =	sadd.s32 @!p0 $0x88, s6;
	s7 =	simm.s32 @p2 $0x1082  }
0x22: {  	[simem:s7], [sflag:s8] =	dma.local @!p0 [hbm:s6], $0xF7A  }
0x23: {  	s9 =	sor.u32 $0xD0000000, s2;
	s6 =	simm.s32 $0x108;
	_ =	swait.ge @!p0 [sflag:s8], $0x0  }
0x24: {  	s3 =	sadd.s32 $0x88, s3;
	s6 =	simm.s32 @!p1 $0x1082;
	[sflag:s4] =	ssyncset.s32 $0xFFFFF086  }
0x25: {  	[simem:s6], [sflag:s4] =	dma.local [hbm:s3], $0xF7A  }
0x26: {  	[smem:$0x3F9D] =	sst s1;
	(tag) =	ssettag s2;
	_ =	strace s9  }
0x27: {  	s1 =	sld [smem:$0x3FAD]  }
0x28: {  	s2 =	sld [smem:$0x3FAE]  }
0x29: {  	s4 =	sld [smem:$0x3FB0]  }
0x2a: {  	p0 =	seq.s32 s5, $0x0;
	s5 =	sld [smem:$0x3FB1]  }
0x2b: {  	s6 =	sld [smem:$0x3FB2]  }
0x2c: {  	s7 =	sld [smem:$0x3FB3]  }
0x2d: {  	s3 =	simm.s32 $0x108;
	s8 =	sld [smem:$0x3FB4]  }
0x2e: {  	s3 =	simm.s32 @!p0 $0x1082;
	s9 =	sld [smem:$0x3FB5]  }
0x2f: {  	lr =	sadd.s32 s0, s3;
	s0 =	sld [smem:$0x3FAC]  }
0x30: {  	s3 =	sld [smem:$0x3FAF]  }
0x31: {  	[smem:$0x3FB8] =	sst s10  }
0x32: {  	s10 =	sld [smem:$0x3FB6];
	_ =	sdelay $0x3  }
0x33: {  	p0 =	seq.s32 s10, $0x1;
	s10 =	sld [smem:$0x3FB8];
	_ =	sdelay $0x3  }
0x34: {  	[smem:$0x3FB8] =	sst s10  }
0x35: {  	s10 =	sld [smem:$0x3FB7];
	_ =	sdelay $0x3  }
0x36: {  	p1 =	seq.s32 s10, $0x1;
	s10 =	sld [smem:$0x3FB8];
	_ =	sdelay $0x3  }
0x37: {  	[smem:$0x3FB8] =	sst s10  }
0x38: {  	s10 =	sld [smem:$0x3FB9]  }
0x39: {  	_ = 	snop;
	(pc) =	sbr.ind lr, $3  }
0x3a: {  	_ = 	snop  }
0x3b: {  	_ = 	snop  }
0x3c: {  	p2 =	seq.s32 s10, $0x1;
	s10 =	sld [smem:$0x3FB8]  }
0x3d: {  	_ =	shalt  }
0x3e: {  	_ =	shalt  }
0x3f: {  	_ =	shalt  }
0x40: {  	_ =	shalt  }
0x41: {  	_ =	shalt  }
0x42: {  	_ =	shalt  }
0x43: {  	_ =	shalt  }
0x44: {  	_ =	shalt  }
0x45: {  	_ =	shalt  }
0x46: {  	_ =	shalt  }
0x47: {  	_ =	shalt  }
0x48: {  	_ =	shalt  }
0x49: {  	_ =	shalt  }
0x4a: {  	_ =	shalt  }
0x4b: {  	_ =	shalt  }
0x4c: {  	_ =	shalt  }
0x4d: {  	_ =	shalt  }
0x4e: {  	_ =	shalt  }
0x4f: {  	_ =	shalt  }
0x50: {  	_ =	shalt  }
0x51: {  	_ =	shalt  }
0x52: {  	_ =	shalt  }
0x53: {  	_ =	shalt  }
0x54: {  	_ =	shalt  }
0x55: {  	_ =	shalt  }
0x56: {  	_ =	shalt  }
0x57: {  	_ =	shalt  }
0x58: {  	_ =	shalt  }
0x59: {  	_ =	shalt  }
0x5a: {  	_ =	shalt  }
0x5b: {  	_ =	shalt  }
0x5c: {  	_ =	shalt  }
0x5d: {  	_ =	shalt  }
0x5e: {  	_ =	shalt  }
0x5f: {  	_ =	shalt  }
0x60: {  	_ =	shalt  }
0x61: {  	_ =	shalt  }
0x62: {  	_ =	shalt  }
0x63: {  	_ =	shalt  }
0x64: {  	_ =	shalt  }
0x65: {  	_ =	shalt  }
0x66: {  	_ =	shalt  }
0x67: {  	_ =	shalt  }
0x68: {  	_ =	shalt  }
0x69: {  	_ =	shalt  }
0x6a: {  	_ =	shalt  }
0x6b: {  	_ =	shalt  }
0x6c: {  	_ =	shalt  }
0x6d: {  	_ =	shalt  }
0x6e: {  	_ =	shalt  }
0x6f: {  	_ =	shalt  }
0x70: {  	_ =	shalt  }
0x71: {  	_ =	shalt  }
0x72: {  	_ =	shalt  }
0x73: {  	_ =	shalt  }
0x74: {  	_ =	shalt  }
0x75: {  	_ =	shalt  }
0x76: {  	_ =	shalt  }
0x77: {  	_ =	shalt  }
0x78: {  	_ =	shalt  }
0x79: {  	_ =	shalt  }
0x7a: {  	_ =	shalt  }
0x7b: {  	_ =	shalt  }
0x7c: {  	_ =	shalt  }
0x7d: {  	_ =	shalt  }
0x7e: {  	_ =	shalt  }
0x7f: {  	_ =	shalt  }
0x80: {  	_ =	shalt  }
0x81: {  	_ =	shalt  }
0x82: {  	_ =	shalt  }
0x83: {  	_ =	shalt  }
0x84: {  	_ =	shalt  }
0x85: {  	_ =	shalt  }
0x86: {  	_ =	shalt  }
0x87: {  	_ =	shalt  }
.Lfunc_end0:
.L_simem_size_0:
called_computation_lowered:
.L_overlay_start_0:
0x88: {  	s2 =	sld [smem:$0x3FD9]  }
0x89: {  	s3 =	sld [smem:$0x3FFE];
	_ =	sdelay $0x1  }
0x8a: {  	s1 =	srdreg.scid  }
0x8b: {  	s0 =	sand.u32 $0x1, s1  }
0x8c: {  	s17 =	sshll.u32 s0, $0xA;
	s2 =	sadd.s32 s3, s2  }
0x8d: {  	s2 =	sadd.s32 s2, s17  }
0x8e: {  	[smem:$0x3FC4] =	sst s2  }
0x8f: {  	_ = 	snop  }
0x90: {  	s2 =	sld [smem:$0x3FC9]  }
0x91: {  	s18 =	sld [smem:$0x3FC8];
	(tm) =	ssettm $0x1  }
0x92: {  	s4 =	sld [smem:$0x3FFB];
	_ =	sdelay $0x3  }
0x93: {  	_ =	strace s4  }
0x94: {  	s4 =	sld [smem:$0x3FFC];
	_ =	sdelay $0x3  }
0x95: {  	_ =	strace s4  }
0x96: {  	s4 =	sld [smem:$0x3FFD];
	_ =	sdelay $0x3  }
0x97: {  	_ =	strace s4  }
0x98: {  	_ =	strace $0x8FFFFFFF  }
0x99: {  	s19 =	sld [smem:$0x3FDB];
	_ =	sdelay $0x1  }
0x9a: {  	s5 =	simm.s32 $_scs_section_size  }
0x9b: {  	s6 =	simm.s32 $_size__tile_overlayer_lowered;
	s7 =	simm.s32 $_tile_overlayer_lowered  }
0x9c: {  	s22 =	simm.s32 $0x1BFF;
	s21 =	sshll.u32 s7, $0x1;
	s4 =	sadd.s32 s5, s19  }
0x9d: {  	s8 =	simm.s32 $0x0;
	s20 =	sshll.u32 s6, $0x1;
	s6 =	sadd.s32 s21, s4  }
0x9e: {  	[timem:s8], [sflag:s22] =	dma.local [hbm:s6], s20  }
0x9f: {  	_ =	swait.ge [sflag:s22], s20  }
0xa0: {  	s5 =	ssub.s32 $0x0, s20;
	[sflag:s22] =	ssyncset.done $0x0  }
0xa1: {  	[sflag:s22] =	ssyncadd.s32 s5;
	_ =	sdelay $0x1  }
0xa2: {  	s23 =	simm.s32 $0x1B8B  }
0xa3: {  	_ =	swait.ge [sflag:s23], $0x1  }
0xa4: {  	[sflag:s23] =	ssyncset.done $0x0  }
0xa5: {  	s25 =	simm.s32 $0x1B8E;
	s24 =	sld [smem:$0x3FFE];
	[sflag:s23] =	ssyncadd.s32 $0xFFFFFFFF  }
0xa6: {  	s26 =	simm.s32 $execute0_lowered;
	[smem:$0x3FD2] =	sst s25  }
0xa7: {  	s6 =	sshll.u32 s26, $0x1;
	_ =	strace $0x80000046;
	[dreg:$0x1] =	wrdreg $0xFFFFFFFF  }
0xa8: {  	s28 =	simm.s32 $_size_execute0_lowered;
	s4 =	sadd.s32 s4, s6;
	[dreg:$0x0] =	wrdreg $0x0  }
0xa9: {  	s6 =	sshll.u32 s28, $0x1;
	[dreg:$0x2] =	wrdreg s4  }
0xaa: {  	[dreg:$0x3] =	wrdreg s6  }
0xab: {  	[dreg:$0x4] =	wrdreg $0xC0  }
0xac: {  	_ =	task [dreg:s8], $0x5FFFF  }
0xad: {  	[dreg:$0x1] =	wrdreg $0xFFFFFFFF  }
0xae: {  	[dreg:$0x0] =	wrdreg $0x60  }
0xaf: {  	[dreg:$0x2] =	wrdreg s2  }
0xb0: {  	[dreg:$0x3] =	wrdreg s18  }
0xb1: {  	[dreg:$0x4] =	wrdreg s24  }
0xb2: {  	[dreg:$0x5] =	wrdreg $0xAB000  }
0xb3: {  	[dreg:$0x6] =	wrdreg $0x9  }
0xb4: {  	_ =	task.clear_ibuf [dreg:s8], $0x7FFFF;
	_ =	strace $0x90000046  }
0xb5: {  	s29 =	simm.s32 $0x9;
	_ =	strace $0x80000048  }
0xb6: {  	_ =	swait.ge [sflag:s29], $0x1  }
0xb7: {  	[sflag:s29] =	ssyncadd.s32 $0xFFFFFFFF  }
0xb8: {  	_ =	strace $0x90000048  }
0xb9: {  	_ =	sfence  }
0xba: {  	s30 =	sld [smem:$0x0];
	_ =	sdelay $0x2  }
0xbb: {  	s31 =	sshll.u32 s1, $0xD;
	s1 =	sshrl.u32 s1, $0x2  }
0xbc: {  	s3 =	sand.u32 $0x4000, s31;
	s1 =	sadd.s32 s1, s30  }
0xbd: {  	s0 =	sor.u32 s3, s0;
	s1 =	sshll.u32 s1, $0x11  }
0xbe: {  	s0 =	sor.u32 s1, s0  }
0xbf: {  	s0 =	sadd.s32 $0x8F2B, s0  }
0xc0: {  	[sflag:s0] =	ssyncadd.remote.s32 $0x1  }
0xc1: {  	_ =	sfence.sel $0xFFFF  }
0xc2: {  	[dreg:$0x0] =	wrdreg $0xFFFFFFFF;
	(pc) =	sbr.abs _section_cstart, $3  }
0xc3: {  	[dreg:$0x1] =	wrdreg $0xFFFFFFFF  }
0xc4: {  	_ =	task.clear_ibuf [dreg:s8], $0x2FFFF;
	_ =	strace $0x9FFFFFFF  }
0xc5: {  	(tm) =	ssettm $0x7FFFFFFF  }
tec
execute0_lowered:
.L_overlay_start_1:
0x0: {  	(tag) =	ssettag $0x1  }
0x1: {  	s0 =	rddreg [dreg:$0x0]  }
0x2: {  	s14 =	rddreg [dreg:$0x1]  }
0x3: {  	s3 =	rddreg [dreg:$0x2]  }
0x4: {  	s1 =	rddreg [dreg:$0x3];
	s4 =	srdreg.scid  }
0x5: {  	s19 =	stileid.u32;
	s2 =	simm.s32 $0x0;
	s21 =	simm.s32 $0x6  }
0x6: {  	s29 =	simm.s32 $0x2000;
	s30 =	simm.s32 $0x7;
	s28 =	simm.s32 $0x4  }
0x7: {  	s4 =	sand.u32 $0x1, s4;
	s5 =	sshll.u32 s19, $0x1;
	[smem:$0x7FF] =	sst s2  }
0x8: {  	s13 =	sadd.s32 $0x4D8, s14;
	s15 =	sadd.s32 $0x26C00, s0;
	s16 =	sadd.s32 $0x27000, s0  }
0x9: {  	p0 =	sne.s32 s19, $0x0;
	s20 =	sor.u32 s4, s5;
	s22 =	sshll.u32 s4, $0x8  }
0xa: {  	s4 =	ssub.s32 $0x2, s4;
	_ =	strace $0x80000047;
	s6 =	smul.u32 $0x140, s20  }
0xb: {  	s17 =	sadd.s32 s22, s3;
	s23 =	sshrl.u32 s4, $0x1;
	s8 =	smul.u32 $0x1400, s20  }
0xc: {  	p1 =	seq.s32 s20, $0x1F;
	s20 =	simm.s32 $0x8;
	s22 =	simm.s32 $0x1  }
0xd: {  	s18 =	ssub.s32 s4, s23;
	s17 =	sadd.s32 $0xC00, s17;
	s23 =	simm.s32 $0x40  }
0xe: {  	s24 =	sshrl.u32 s6, $0x3;
	s9 =	sadd.s32 $0x40, s6;
	s10 =	sadd.s32 $0x80, s6  }
0xf: {  	s11 =	sadd.s32 $0xC0, s6;
	s12 =	sadd.s32 $0x100, s6;
	s8 =	sadd.s32 s0, s8  }
0x10: {  	s18 =	smax.u32 s18, $0x1;
	s3 =	sadd.s32 s14, s24;
	s25 =	sshrl.u32 s9, $0x3  }
0x11: {  	s26 =	sshrl.u32 s10, $0x3;
	s7 =	sshrl.u32 s11, $0x3;
	s31 =	sshrl.u32 s12, $0x3  }
0x12: {  	s9 =	sshll.u32 s9, $0x4;
	s10 =	sshll.u32 s10, $0x4;
	s11 =	sshll.u32 s11, $0x4  }
.Ltmp0:
0x13: {  	s12 =	sshll.u32 s12, $0x4;
	s24 =	simm.s32 $0xA000;
	(pc) =	sbr.rel .LBB2_1-.Ltmp0, $4  }
0x14: {  	s4 =	sadd.s32 s14, s25;
	s5 =	sadd.s32 s14, s26;
	s6 =	sadd.s32 s14, s7  }
0x15: {  	s7 =	sadd.s32 s14, s31;
	s9 =	sadd.s32 s0, s9;
	s10 =	sadd.s32 s0, s10  }
0x16: {  	s11 =	sadd.s32 s0, s11;
	s12 =	sadd.s32 s0, s12;
	s14 =	sadd.s32 $0x4E0, s14  }
0x17: {  	v0 =	vimm.f32 $0.0e+00;
	s25 =	simm.s32 $0x2;
	s0 =	simm.s32 $0x3;
	s26 =	simm.s32 $0x5  }
.LBB2_5:
0x18: {  	_ =	swait.ge [sflag:s21], $0x10  }
0x19: {  	[sflag:s21] =	ssyncset.done $0x0  }
0x1a: {  	[sflag:s21] =	ssyncadd.s32 $0xFFFFFFF0  }
0x1b: {  	_ =	swait.ge [sflag:s22], $0x2000  }
0x1c: {  	[sflag:s22] =	ssyncset.done $0x0  }
0x1d: {  	s2 =	simm.s32 $0x0;
	[sflag:s22] =	ssyncadd.s32 $0xFFFFE000  }
0x1e: {  	[spmem:s1] =	stream.indirect.scatter.add.f32 [tilespmem:s2], [sflag:$0x7], $0x80, s24, s23, $0xb8;
	[tilespmem:$0xAB80] =	vst v63  }
0x1f: {  	_ =	swait.ge [sflag:s25], $0x800  }
0x20: {  	[sflag:s25] =	ssyncset.done $0x0  }
0x21: {  	s31 =	simm.s32 $0x10;
	s19 =	simm.s32 $0xA280;
	[sflag:s25] =	ssyncadd.s32 $0xFFFFF800  }
0x22: {  	[spmem:s1] =	stream.indirect.scatter.add.f32 [tilespmem:s29], [sflag:$0x7], $0x80, s19, s31, $0xb8;
	[tilespmem:$0xAB80] =	vst v63  }
0x23: {  	_ =	swait.ge [sflag:s30], $0x2000  }
0x24: {  	[sflag:s30] =	ssyncset.done $0x0  }
0x25: {  	[sflag:s30] =	ssyncadd.s32 $0xFFFFE000  }
0x26: {  	_ =	swait.ge [sflag:s30], $0x800  }
0x27: {  	[sflag:s30] =	ssyncset.done $0x0  }
0x28: {  	[sflag:s30] =	ssyncadd.s32 $0xFFFFF800  }
.LBB2_6:
0x29: {  	[bflag:$0x0] =	sbarrier.arrive $0xFFFF;
	s19 =	simm.s32 @!p0 $0xA300;
	s31 =	simm.s32 @!p0 $0x8  }
0x2a: {  	[tilespmem:s19], [sflag:$0x8] =	stream.linear.gather @!p0 [spmem:s1], $0x800, $0x38;
	[tilespmem:$0xAB80] =	vst v63  }
0x2b: {  	s18 =	sadd.s32 $0xFFFFFFFF, s18;
	_ =	swait.ge @!p0 [sflag:s31], $0x800  }
0x2c: {  	p2 =	sne.s32 s18, $0x0;
	[sflag:s31] =	ssyncset.done @!p0 $0x0  }
.Ltmp1:
0x2d: {  	s2 =	simm.s32 @!p0 $0x0;
	[sflag:s31] =	ssyncadd.s32 @!p0 $0xFFFFF800;
	(pc) =	sbr.rel @!p2 .LBB2_7-.Ltmp1, $4  }
0x2e: {  	[hbm4b:s17+s2] =	stream.linear.scatter @!p0 [tilespmem:s19], [sflag:$0x8], $0x800, $0x38;
	[tilespmem:$0xAB80] =	vst v63  }
0x2f: {  	_ =	swait.ge @!p0 [sflag:s31], $0x800  }
0x30: {  	[sflag:s31] =	ssyncset.done @!p0 $0x0  }
0x31: {  	[sflag:s31] =	ssyncadd.s32 @!p0 $0xFFFFF800  }
.LBB2_1:
0x32: {  	s31 =	simm.s32 @p1 $0x0;
	s19 =	simm.s32 @p1 $0xA000  }
0x33: {  	[tilespmem:s19], [sflag:$0x6] =	stream.linear.gather @p1 [hbm4b:s13+s31], $0x40, $0x38;
	[tilespmem:$0xAB80] =	vst v63  }
0x34: {  	s19 =	simm.s32 @p1 $0xA280  }
0x35: {  	[tilespmem:s19], [sflag:$0x6] =	stream.linear.gather @p1 [hbm4b:s14+s31], $0x10, $0x38;
	[tilespmem:$0xAB80] =	vst v63  }
0x36: {  	_ = 	snop  }
0x37: {  	[tilespmem:s31], [sflag:$0x1] =	stream.linear.gather @p1 [hbm4b:s15+s31], $0x2000, $0x38;
	[tilespmem:$0xAB80] =	vst v63  }
0x38: {  	s19 =	simm.s32 @p1 $0x2000  }
0x39: {  	[tilespmem:s19], [sflag:$0x2] =	stream.linear.gather @p1 [hbm4b:s16+s31], $0x800, $0x38;
	[tilespmem:$0xAB80] =	vst v63  }
0x3a: {  	s19 =	simm.s32 @!p1 $0x0;
	s31 =	simm.s32 @!p1 $0xA000  }
0x3b: {  	[tilespmem:s31], [sflag:$0x6] =	stream.linear.gather @!p1 [hbm4b:s3+s19], $0x40, $0x38;
	[tilespmem:$0xAB80] =	vst v63  }
0x3c: {  	s31 =	simm.s32 @!p1 $0xA080  }
0x3d: {  	[tilespmem:s31], [sflag:$0x6] =	stream.linear.gather @!p1 [hbm4b:s4+s19], $0x40, $0x38;
	[tilespmem:$0xAB80] =	vst v63  }
0x3e: {  	s31 =	simm.s32 @!p1 $0xA100  }
0x3f: {  	[tilespmem:s31], [sflag:$0x6] =	stream.linear.gather @!p1 [hbm4b:s5+s19], $0x40, $0x38;
	[tilespmem:$0xAB80] =	vst v63  }
0x40: {  	s31 =	simm.s32 @!p1 $0xA180  }
0x41: {  	[tilespmem:s31], [sflag:$0x6] =	stream.linear.gather @!p1 [hbm4b:s6+s19], $0x40, $0x38;
	[tilespmem:$0xAB80] =	vst v63  }
0x42: {  	s31 =	simm.s32 @!p1 $0xA200  }
0x43: {  	[tilespmem:s31], [sflag:$0x6] =	stream.linear.gather @!p1 [hbm4b:s7+s19], $0x40, $0x38;
	[tilespmem:$0xAB80] =	vst v63  }
0x44: {  	_ = 	snop  }
0x45: {  	[tilespmem:s19], [sflag:$0x1] =	stream.linear.gather @!p1 [hbm4b:s8+s19], $0x2000, $0x38;
	[tilespmem:$0xAB80] =	vst v63  }
0x46: {  	s31 =	simm.s32 @!p1 $0x2000  }
0x47: {  	[tilespmem:s31], [sflag:$0x2] =	stream.linear.gather @!p1 [hbm4b:s9+s19], $0x2000, $0x38;
	[tilespmem:$0xAB80] =	vst v63  }
0x48: {  	s31 =	simm.s32 @!p1 $0x4000  }
0x49: {  	[tilespmem:s31], [sflag:$0x3] =	stream.linear.gather @!p1 [hbm4b:s10+s19], $0x2000, $0x38;
	[tilespmem:$0xAB80] =	vst v63  }
.Ltmp2:
0x4a: {  	_ = 	snop;
	(pc) =	sbr.rel @p0 .LBB2_3-.Ltmp2, $4  }
0x4b: {  	s31 =	simm.s32 @!p1 $0x6000  }
0x4c: {  	[tilespmem:s31], [sflag:$0x4] =	stream.linear.gather @!p1 [hbm4b:s11+s19], $0x2000, $0x38;
	[tilespmem:$0xAB80] =	vst v63  }
0x4d: {  	s31 =	simm.s32 @!p1 $0x8000  }
0x4e: {  	[tilespmem:s31], [sflag:$0x5] =	stream.linear.gather @!p1 [hbm4b:s12+s19], $0x2000, $0x38;
	[tilespmem:$0xAB80] =	vst v63  }
0x4f: {  	[tilespmem:$0xA300] =	vst v0  }
0x50: {  	[tilespmem:$0xA310] =	vst v0  }
0x51: {  	[tilespmem:$0xA320] =	vst v0  }
0x52: {  	[tilespmem:$0xA330] =	vst v0  }
0x53: {  	[tilespmem:$0xA340] =	vst v0  }
0x54: {  	[tilespmem:$0xA350] =	vst v0  }
0x55: {  	[tilespmem:$0xA360] =	vst v0  }
0x56: {  	[tilespmem:$0xA370] =	vst v0  }
0x57: {  	[tilespmem:$0xA380] =	vst v0  }
0x58: {  	[tilespmem:$0xA390] =	vst v0  }
0x59: {  	[tilespmem:$0xA3A0] =	vst v0  }
0x5a: {  	[tilespmem:$0xA3B0] =	vst v0  }
0x5b: {  	[tilespmem:$0xA3C0] =	vst v0  }
0x5c: {  	[tilespmem:$0xA3D0] =	vst v0  }
0x5d: {  	[tilespmem:$0xA3E0] =	vst v0  }
0x5e: {  	[tilespmem:$0xA3F0] =	vst v0  }
0x5f: {  	[tilespmem:$0xA400] =	vst v0  }
0x60: {  	[tilespmem:$0xA410] =	vst v0  }
0x61: {  	[tilespmem:$0xA420] =	vst v0  }
0x62: {  	[tilespmem:$0xA430] =	vst v0  }
0x63: {  	[tilespmem:$0xA440] =	vst v0  }
0x64: {  	[tilespmem:$0xA450] =	vst v0  }
0x65: {  	[tilespmem:$0xA460] =	vst v0  }
0x66: {  	[tilespmem:$0xA470] =	vst v0  }
0x67: {  	[tilespmem:$0xA480] =	vst v0  }
0x68: {  	[tilespmem:$0xA490] =	vst v0  }
0x69: {  	[tilespmem:$0xA4A0] =	vst v0  }
0x6a: {  	[tilespmem:$0xA4B0] =	vst v0  }
0x6b: {  	[tilespmem:$0xA4C0] =	vst v0  }
0x6c: {  	[tilespmem:$0xA4D0] =	vst v0  }
0x6d: {  	[tilespmem:$0xA4E0] =	vst v0  }
0x6e: {  	[tilespmem:$0xA4F0] =	vst v0  }
0x6f: {  	[tilespmem:$0xA500] =	vst v0  }
0x70: {  	[tilespmem:$0xA510] =	vst v0  }
0x71: {  	[tilespmem:$0xA520] =	vst v0  }
0x72: {  	[tilespmem:$0xA530] =	vst v0  }
0x73: {  	[tilespmem:$0xA540] =	vst v0  }
0x74: {  	[tilespmem:$0xA550] =	vst v0  }
0x75: {  	[tilespmem:$0xA560] =	vst v0  }
0x76: {  	[tilespmem:$0xA570] =	vst v0  }
0x77: {  	[tilespmem:$0xA580] =	vst v0  }
0x78: {  	[tilespmem:$0xA590] =	vst v0  }
0x79: {  	[tilespmem:$0xA5A0] =	vst v0  }
0x7a: {  	[tilespmem:$0xA5B0] =	vst v0  }
0x7b: {  	[tilespmem:$0xA5C0] =	vst v0  }
0x7c: {  	[tilespmem:$0xA5D0] =	vst v0  }
0x7d: {  	[tilespmem:$0xA5E0] =	vst v0  }
0x7e: {  	[tilespmem:$0xA5F0] =	vst v0  }
0x7f: {  	[tilespmem:$0xA600] =	vst v0  }
0x80: {  	[tilespmem:$0xA610] =	vst v0  }
0x81: {  	[tilespmem:$0xA620] =	vst v0  }
0x82: {  	[tilespmem:$0xA630] =	vst v0  }
0x83: {  	[tilespmem:$0xA640] =	vst v0  }
0x84: {  	[tilespmem:$0xA650] =	vst v0  }
0x85: {  	[tilespmem:$0xA660] =	vst v0  }
0x86: {  	[tilespmem:$0xA670] =	vst v0  }
0x87: {  	[tilespmem:$0xA680] =	vst v0  }
0x88: {  	[tilespmem:$0xA690] =	vst v0  }
0x89: {  	[tilespmem:$0xA6A0] =	vst v0  }
0x8a: {  	[tilespmem:$0xA6B0] =	vst v0  }
0x8b: {  	[tilespmem:$0xA6C0] =	vst v0  }
0x8c: {  	[tilespmem:$0xA6D0] =	vst v0  }
0x8d: {  	[tilespmem:$0xA6E0] =	vst v0  }
0x8e: {  	[tilespmem:$0xA6F0] =	vst v0  }
0x8f: {  	[tilespmem:$0xA700] =	vst v0  }
0x90: {  	[tilespmem:$0xA710] =	vst v0  }
0x91: {  	[tilespmem:$0xA720] =	vst v0  }
0x92: {  	[tilespmem:$0xA730] =	vst v0  }
0x93: {  	[tilespmem:$0xA740] =	vst v0  }
0x94: {  	[tilespmem:$0xA750] =	vst v0  }
0x95: {  	[tilespmem:$0xA760] =	vst v0  }
0x96: {  	[tilespmem:$0xA770] =	vst v0  }
0x97: {  	[tilespmem:$0xA780] =	vst v0  }
0x98: {  	[tilespmem:$0xA790] =	vst v0  }
0x99: {  	[tilespmem:$0xA7A0] =	vst v0  }
0x9a: {  	[tilespmem:$0xA7B0] =	vst v0  }
0x9b: {  	[tilespmem:$0xA7C0] =	vst v0  }
0x9c: {  	[tilespmem:$0xA7D0] =	vst v0  }
0x9d: {  	[tilespmem:$0xA7E0] =	vst v0  }
0x9e: {  	[tilespmem:$0xA7F0] =	vst v0  }
0x9f: {  	[tilespmem:$0xA800] =	vst v0  }
0xa0: {  	[tilespmem:$0xA810] =	vst v0  }
0xa1: {  	[tilespmem:$0xA820] =	vst v0  }
0xa2: {  	[tilespmem:$0xA830] =	vst v0  }
0xa3: {  	[tilespmem:$0xA840] =	vst v0  }
0xa4: {  	[tilespmem:$0xA850] =	vst v0  }
0xa5: {  	[tilespmem:$0xA860] =	vst v0  }
0xa6: {  	[tilespmem:$0xA870] =	vst v0  }
0xa7: {  	[tilespmem:$0xA880] =	vst v0  }
0xa8: {  	[tilespmem:$0xA890] =	vst v0  }
0xa9: {  	[tilespmem:$0xA8A0] =	vst v0  }
0xaa: {  	[tilespmem:$0xA8B0] =	vst v0  }
0xab: {  	[tilespmem:$0xA8C0] =	vst v0  }
0xac: {  	[tilespmem:$0xA8D0] =	vst v0  }
0xad: {  	[tilespmem:$0xA8E0] =	vst v0  }
0xae: {  	[tilespmem:$0xA8F0] =	vst v0  }
0xaf: {  	[tilespmem:$0xA900] =	vst v0  }
0xb0: {  	[tilespmem:$0xA910] =	vst v0  }
0xb1: {  	[tilespmem:$0xA920] =	vst v0  }
0xb2: {  	[tilespmem:$0xA930] =	vst v0  }
0xb3: {  	[tilespmem:$0xA940] =	vst v0  }
0xb4: {  	[tilespmem:$0xA950] =	vst v0  }
0xb5: {  	[tilespmem:$0xA960] =	vst v0  }
0xb6: {  	[tilespmem:$0xA970] =	vst v0  }
0xb7: {  	[tilespmem:$0xA980] =	vst v0  }
0xb8: {  	[tilespmem:$0xA990] =	vst v0  }
0xb9: {  	[tilespmem:$0xA9A0] =	vst v0  }
0xba: {  	[tilespmem:$0xA9B0] =	vst v0  }
0xbb: {  	[tilespmem:$0xA9C0] =	vst v0  }
0xbc: {  	[tilespmem:$0xA9D0] =	vst v0  }
0xbd: {  	[tilespmem:$0xA9E0] =	vst v0  }
0xbe: {  	[tilespmem:$0xA9F0] =	vst v0  }
0xbf: {  	[tilespmem:$0xAA00] =	vst v0  }
0xc0: {  	[tilespmem:$0xAA10] =	vst v0  }
0xc1: {  	[tilespmem:$0xAA20] =	vst v0  }
0xc2: {  	[tilespmem:$0xAA30] =	vst v0  }
0xc3: {  	[tilespmem:$0xAA40] =	vst v0  }
0xc4: {  	[tilespmem:$0xAA50] =	vst v0  }
0xc5: {  	[tilespmem:$0xAA60] =	vst v0  }
0xc6: {  	[tilespmem:$0xAA70] =	vst v0  }
0xc7: {  	[tilespmem:$0xAA80] =	vst v0  }
0xc8: {  	[tilespmem:$0xAA90] =	vst v0  }
0xc9: {  	[tilespmem:$0xAAA0] =	vst v0  }
0xca: {  	[tilespmem:$0xAAB0] =	vst v0  }
0xcb: {  	[tilespmem:$0xAAC0] =	vst v0  }
0xcc: {  	[tilespmem:$0xAAD0] =	vst v0  }
0xcd: {  	[tilespmem:$0xAAE0] =	vst v0  }
0xce: {  	[tilespmem:$0xAAF0] =	vst v0;
	s2 =	simm.s32 $0xA300  }
0xcf: {  	[spmem:s1] =	stream.linear.scatter [tilespmem:s2], [sflag:$0x8], $0x800, $0x38;
	[tilespmem:$0xAB80] =	vst v63  }
0xd0: {  	_ =	swait.ge [sflag:s20], $0x800  }
0xd1: {  	[sflag:s20] =	ssyncset.done $0x0  }
0xd2: {  	[sflag:s20] =	ssyncadd.s32 $0xFFFFF800  }
.LBB2_3:
.Ltmp3:
0xd3: {  	(pc) =	sbr.rel @p1 .LBB2_5-.Ltmp3, $4  }
0xd4: {  	[bflag:$0x0] =	sbarrier.arrive $0xFFFF  }
0xd5: {  	_ =	swait.ge [sflag:s21], $0x40  }
0xd6: {  	[sflag:s21] =	ssyncset.done $0x0  }
0xd7: {  	[sflag:s21] =	ssyncadd.s32 $0xFFFFFFC0  }
0xd8: {  	_ =	swait.ge [sflag:s21], $0x40  }
0xd9: {  	[sflag:s21] =	ssyncset.done $0x0  }
0xda: {  	[sflag:s21] =	ssyncadd.s32 $0xFFFFFFC0  }
0xdb: {  	_ =	swait.ge [sflag:s21], $0x40  }
0xdc: {  	[sflag:s21] =	ssyncset.done $0x0  }
0xdd: {  	[sflag:s21] =	ssyncadd.s32 $0xFFFFFFC0  }
0xde: {  	_ =	swait.ge [sflag:s21], $0x40  }
0xdf: {  	[sflag:s21] =	ssyncset.done $0x0  }
0xe0: {  	[sflag:s21] =	ssyncadd.s32 $0xFFFFFFC0  }
0xe1: {  	_ =	swait.ge [sflag:s21], $0x40  }
0xe2: {  	[sflag:s21] =	ssyncset.done $0x0  }
0xe3: {  	[sflag:s21] =	ssyncadd.s32 $0xFFFFFFC0  }
0xe4: {  	_ =	swait.ge [sflag:s22], $0x2000  }
0xe5: {  	[sflag:s22] =	ssyncset.done $0x0  }
0xe6: {  	s2 =	simm.s32 $0x0;
	[sflag:s22] =	ssyncadd.s32 $0xFFFFE000  }
0xe7: {  	[spmem:s1] =	stream.indirect.scatter.add.f32 [tilespmem:s2], [sflag:$0x7], $0x80, s24, s23, $0xb8;
	[tilespmem:$0xAB80] =	vst v63  }
0xe8: {  	_ =	swait.ge [sflag:s25], $0x2000  }
0xe9: {  	[sflag:s25] =	ssyncset.done $0x0  }
0xea: {  	s19 =	simm.s32 $0xA080;
	[sflag:s25] =	ssyncadd.s32 $0xFFFFE000  }
0xeb: {  	[spmem:s1] =	stream.indirect.scatter.add.f32 [tilespmem:s29], [sflag:$0x7], $0x80, s19, s23, $0xb8;
	[tilespmem:$0xAB80] =	vst v63  }
0xec: {  	_ =	swait.ge [sflag:s0], $0x2000  }
0xed: {  	[sflag:s0] =	ssyncset.done $0x0  }
0xee: {  	s31 =	simm.s32 $0xA100;
	s19 =	simm.s32 $0x4000;
	[sflag:s0] =	ssyncadd.s32 $0xFFFFE000  }
0xef: {  	[spmem:s1] =	stream.indirect.scatter.add.f32 [tilespmem:s19], [sflag:$0x7], $0x80, s31, s23, $0xb8;
	[tilespmem:$0xAB80] =	vst v63  }
0xf0: {  	_ =	swait.ge [sflag:s28], $0x2000  }
0xf1: {  	[sflag:s28] =	ssyncset.done $0x0  }
0xf2: {  	s19 =	simm.s32 $0xA180;
	s31 =	simm.s32 $0x6000;
	[sflag:s28] =	ssyncadd.s32 $0xFFFFE000  }
0xf3: {  	[spmem:s1] =	stream.indirect.scatter.add.f32 [tilespmem:s31], [sflag:$0x7], $0x80, s19, s23, $0xb8;
	[tilespmem:$0xAB80] =	vst v63  }
0xf4: {  	_ =	swait.ge [sflag:s26], $0x2000  }
0xf5: {  	[sflag:s26] =	ssyncset.done $0x0  }
0xf6: {  	s19 =	simm.s32 $0xA200;
	s31 =	simm.s32 $0x8000;
	[sflag:s26] =	ssyncadd.s32 $0xFFFFE000  }
0xf7: {  	[spmem:s1] =	stream.indirect.scatter.add.f32 [tilespmem:s31], [sflag:$0x7], $0x80, s19, s23, $0xb8;
	[tilespmem:$0xAB80] =	vst v63  }
0xf8: {  	_ =	swait.ge [sflag:s30], $0x2000  }
0xf9: {  	[sflag:s30] =	ssyncset.done $0x0  }
0xfa: {  	[sflag:s30] =	ssyncadd.s32 $0xFFFFE000  }
0xfb: {  	_ =	swait.ge [sflag:s30], $0x2000  }
0xfc: {  	[sflag:s30] =	ssyncset.done $0x0  }
0xfd: {  	[sflag:s30] =	ssyncadd.s32 $0xFFFFE000  }
0xfe: {  	_ =	swait.ge [sflag:s30], $0x2000  }
0xff: {  	[sflag:s30] =	ssyncset.done $0x0  }
0x100: {  	[sflag:s30] =	ssyncadd.s32 $0xFFFFE000  }
0x101: {  	_ =	swait.ge [sflag:s30], $0x2000  }
.Ltmp4:
0x102: {  	[sflag:s30] =	ssyncset.done $0x0;
	(pc) =	sbr.rel .LBB2_6-.Ltmp4, $4  }
0x103: {  	[sflag:s30] =	ssyncadd.s32 $0xFFFFE000  }
0x104: {  	_ =	swait.ge [sflag:s30], $0x2000  }
0x105: {  	[sflag:s30] =	ssyncset.done $0x0  }
0x106: {  	[sflag:s30] =	ssyncadd.s32 $0xFFFFE000  }
.LBB2_7:
0x107: {  	_ =	sfence.sel $0x180000  }
0x108: {  	[bflag:$0x0] =	sbarrier.arrive $0xFFFF  }
0x109: {  	_ =	strace $0x90000047  }
0x10a: {  	[bflag:$0x2] =	sbarrier.arrive $0xFFFF  }
0x10b: {  	s0 =	rddreg [dreg:$0x4]  }
0x10c: {  	s0 =	sadd.s32 @!p0 $0x100000, s0  }
0x10d: {  	[sflag:s0] =	ssyncadd.tile.s32 @!p0 $0x1;
	_ =	shalt  }
.Lfunc_end2:
_tile_overlayer_lowered:
.L_overlay_start_2:
0x10e: {  	(tag) =	ssettag $0x2  }
0x10f: {  	s0 =	rddreg [dreg:$0x0];
	s2 =	stileid.u32  }
0x110: {  	s1 =	rddreg [dreg:$0x1];
	p0 =	sne.s32 s2, $0x0  }
0x111: {  	s3 =	rddreg [dreg:$0x2];
	[bflag:$0x3] =	sbarrier.arrive $0xFFFF;
	s2 =	simm.s32 @!p0 $0x1C08  }
0x112: {  	[timem:s3], [sflag:s2] =	dma.local @!p0 [hbm:s0], s1  }
0x113: {  	s0 =	simm.s32 @!p0 $0x8  }
0x114: {  	_ =	swait.ge @!p0 [sflag:s0], s1  }
0x115: {  	s1 =	ssub.s32 @!p0 $0x0, s1;
	[sflag:s0] =	ssyncset.done @!p0 $0x0  }
0x116: {  	[sflag:s0] =	ssyncadd.s32 @!p0 s1  }
0x117: {  	[bflag:$0x3] =	sbarrier.arrive $0xFFFF  }
0x118: {  	_ =	shalt  }

</sc_bundles>
